<compile_context>
chip_gen: v7x
topology: tpu7x:2x2x1
jax: 0.10.2.dev20260603
libtpu: 0.0.44.dev20260713+nightly
codegen_flags: <defaults>
</compile_context>

<pallas_src>
import functools

import jax
import jax.numpy as jnp
from jax import lax
from jax.experimental import pallas as pl
from jax.experimental.pallas import tpu as pltpu
from jax.experimental.pallas import tpu_sc as plsc

VOCAB_SIZES = (6, 7, 12, 7, 96)
EMB_DIMS = (3, 4, 6, 4, 50)
N_ROWS = 16384
X_COLS = 64
OUT_COLS = X_COLS + sum(EMB_DIMS)

NUM_CORES = 2
NUM_SUBCORES = 16
NUM_WORKERS = NUM_CORES * NUM_SUBCORES
COLS_PER_W = N_ROWS // NUM_WORKERS
NSB = 1
SB_COLS = COLS_PER_W // NSB
LANES = 16
SB_CHUNKS = SB_COLS // LANES

_COL_OFF = []
_acc = X_COLS
for _d in EMB_DIMS:
    _COL_OFF.append(_acc)
    _acc += _d


def _body(xt_hbm, yt_hbm, e0, e1, e2, e3, e4, out_hbm, y_v, t0, t1, t2, t3, t4,
          o_v0, sem, xsem0, osem0):
    tabs = (t0, t1, t2, t3, t4)
    o_bufs = (o_v0,)
    xsems = (xsem0,)
    osems = (osem0,)
    wid = lax.axis_index("s") * NUM_CORES + lax.axis_index("c")
    base = wid * COLS_PER_W

    xcps = [
        pltpu.make_async_copy(
            xt_hbm.at[:, pl.ds(base + sb * SB_COLS, SB_COLS)],
            o_bufs[sb].at[pl.ds(0, X_COLS), :], xsems[sb])
        for sb in range(NSB)
    ]
    for cp in xcps:
        cp.start()
    cps = [
        pltpu.make_async_copy(yt_hbm.at[:, pl.ds(base, COLS_PER_W)], y_v, sem),
    ] + [
        pltpu.make_async_copy(e, t, sem)
        for e, t in zip((e0, e1, e2, e3, e4), tabs)
    ]
    for cp in cps:
        cp.start()
    o_v = o_bufs[0]
    xcps[0].wait()
    ocp_x = pltpu.make_async_copy(
        o_v.at[pl.ds(0, X_COLS), :],
        out_hbm.at[pl.ds(0, X_COLS), pl.ds(base, COLS_PER_W)], xsems[0])
    ocp_x.start()
    for cp in cps:
        cp.wait()

    @plsc.parallel_loop(0, SB_COLS, step=LANES, unroll=1)
    def _chunk(s):
        for i in range(5):
            yi = y_v[i, pl.ds(s, LANES)]
            for cc in range(EMB_DIMS[i]):
                val = plsc.load_gather(
                    tabs[i], [jnp.full((LANES,), cc, jnp.int32), yi])
                o_v[_COL_OFF[i] + cc, pl.ds(s, LANES)] = val

    ocp_e = pltpu.make_async_copy(
        o_v.at[pl.ds(X_COLS, OUT_COLS - X_COLS), :],
        out_hbm.at[pl.ds(X_COLS, OUT_COLS - X_COLS), pl.ds(base, COLS_PER_W)],
        osems[0])
    ocp_e.start()
    ocp_x.wait()
    ocp_e.wait()


_feature_call = functools.partial(
    pl.kernel,
    out_type=jax.ShapeDtypeStruct((OUT_COLS, N_ROWS), jnp.float32),
    mesh=plsc.VectorSubcoreMesh(core_axis_name="c", subcore_axis_name="s"),
    compiler_params=pltpu.CompilerParams(
        needs_layout_passes=False, use_tc_tiling_on_sc=True),
    scratch_types=[
        pltpu.VMEM((5, COLS_PER_W), jnp.int32),
        pltpu.VMEM((EMB_DIMS[0], VOCAB_SIZES[0]), jnp.float32),
        pltpu.VMEM((EMB_DIMS[1], VOCAB_SIZES[1]), jnp.float32),
        pltpu.VMEM((EMB_DIMS[2], VOCAB_SIZES[2]), jnp.float32),
        pltpu.VMEM((EMB_DIMS[3], VOCAB_SIZES[3]), jnp.float32),
        pltpu.VMEM((EMB_DIMS[4], VOCAB_SIZES[4]), jnp.float32),
        pltpu.VMEM((OUT_COLS, SB_COLS), jnp.float32),
        pltpu.SemaphoreType.DMA,
        pltpu.SemaphoreType.DMA,
        pltpu.SemaphoreType.DMA,
    ],
)(_body)


def kernel(x, y, E0, E1, E2, E3, E4):
    out_t = _feature_call(x.T, y.T, E0.T, E1.T, E2.T, E3.T, E4.T)
    return out_t.T

# --- scband reference (transcript-rebuilt; emitter-appended) ---
"""Pipeline reference for scband-taxi-feature-creator-15796889715045 (READ-ONLY COPY).

The authoritative reference and input builder live on the scoring server;
editing this copy changes nothing except your own understanding.
"""

import jax, jax.numpy as jnp
import numpy as np

VOCABS = [6, 7, 12, 7, 96]
DIMS = [3, 4, 6, 4, 50]

def setup_inputs(seed: int = 0):
    key = jax.random.key(seed)
    ks = jax.random.split(key, 7)
    x = jax.random.normal(ks[0], (16384, 64), dtype=jnp.float32)
    y = jax.random.randint(ks[1], (16384, 5), 0, 6, dtype=jnp.int32)
    inp = {"x": x, "y": y}
    for i, (v, d) in enumerate(zip(VOCABS, DIMS)):
        inp[f"E{i}"] = jax.random.normal(ks[2 + i], (v, d), dtype=jnp.float32)
    return inp

def reference(x, y, E0, E1, E2, E3, E4):
    tables = [E0, E1, E2, E3, E4]
    out = [x]
    for i in range(5):
        out.append(jnp.take(tables[i], y[:, i], axis=0))
    return jnp.concatenate(out, axis=1)

if __name__ == "__main__":
    import jax
    _d = setup_inputs()
    print(jax.jit(kernel)(*tuple(_d.values())))

</pallas_src>

<mosaic_0001>
#map = affine_map<(d0, d1) -> (0, 0)>
module attributes {stable_mosaic.version = 14 : i64} {
  func.func @_body(%arg0: i32, %arg1: i32, %arg2: memref<64x16384xf32, #tpu.memory_space<hbm>>, %arg3: memref<5x16384xi32, #tpu.memory_space<hbm>>, %arg4: memref<3x6xf32, #tpu.memory_space<hbm>>, %arg5: memref<4x7xf32, #tpu.memory_space<hbm>>, %arg6: memref<6x12xf32, #tpu.memory_space<hbm>>, %arg7: memref<4x7xf32, #tpu.memory_space<hbm>>, %arg8: memref<50x96xf32, #tpu.memory_space<hbm>>, %arg9: memref<131x16384xf32, #tpu.memory_space<hbm>>, %arg10: memref<5x512xi32, #tpu.memory_space<vmem>>, %arg11: memref<3x6xf32, #tpu.memory_space<vmem>>, %arg12: memref<4x7xf32, #tpu.memory_space<vmem>>, %arg13: memref<6x12xf32, #tpu.memory_space<vmem>>, %arg14: memref<4x7xf32, #tpu.memory_space<vmem>>, %arg15: memref<50x96xf32, #tpu.memory_space<vmem>>, %arg16: memref<131x512xf32, #tpu.memory_space<vmem>>, %arg17: memref<!tpu.dma_semaphore, #tpu.memory_space<semaphore_mem>>, %arg18: memref<!tpu.dma_semaphore, #tpu.memory_space<semaphore_mem>>, %arg19: memref<!tpu.dma_semaphore, #tpu.memory_space<semaphore_mem>>) attributes {dimension_semantics = [#tpu.dimension_semantics<core_parallel>, #tpu.dimension_semantics<subcore_parallel>], iteration_bounds = array<i64: 2, 16>, scalar_prefetch = 0 : i64, scratch_operands = 10 : i64, tpu.core_type = #tpu.core_type<sc_vector_subcore>, window_params = [{transform_indices = #map}, {transform_indices = #map}, {transform_indices = #map}, {transform_indices = #map}, {transform_indices = #map}, {transform_indices = #map}, {transform_indices = #map}, {transform_indices = #map}]} {
    %mul3A = arith.constant 2 : i32
    %mul3A_0 = arith.muli %arg1, %mul3A : i32
    %add3A = arith.addi %mul3A_0, %arg0 : i32
    %mul3A_1 = arith.constant 512 : i32
    %mul3A_2 = arith.muli %add3A, %mul3A_1 : i32
    %add3A_3 = arith.constant 0 : i32
    %add3A_4 = arith.addi %mul3A_2, %add3A_3 : i32
    %dma_start3A = arith.constant 0 : i32
    %dma_start3A_5 = arith.constant 0 : i32
    %dma_start3A_6 = tpu.memref_slice %arg16[%dma_start3A, %dma_start3A_5] : memref<131x512xf32, #tpu.memory_space<vmem>> -> memref<64x512xf32, #tpu.memory_space<vmem>>
    %dma_start3A_7 = arith.constant 0 : i32
    %dma_start3A_8 = tpu.memref_slice %arg2[%dma_start3A_7, %add3A_4] : memref<64x16384xf32, #tpu.memory_space<hbm>> -> memref<64x512xf32, #tpu.memory_space<hbm>>
    %dma_start3A_9 = arith.constant 0 : i32
    %dma_start3A_10 = arith.constant 0 : i32
    %dma_start3A_11 = tpu.memref_slice %arg16[%dma_start3A_9, %dma_start3A_10] : memref<131x512xf32, #tpu.memory_space<vmem>> -> memref<64x512xf32, #tpu.memory_space<vmem>>
    %dma_start3A_12 = arith.constant 0 : i32
    %dma_start3A_13 = tpu.memref_slice %arg2[%dma_start3A_12, %add3A_4] : memref<64x16384xf32, #tpu.memory_space<hbm>> -> memref<64x512xf32, #tpu.memory_space<hbm>>
    tpu.enqueue_dma source(%dma_start3A_13 : memref<64x512xf32, #tpu.memory_space<hbm>>) target(%dma_start3A_11 : memref<64x512xf32, #tpu.memory_space<vmem>>) target_semaphore(%arg18 : memref<!tpu.dma_semaphore, #tpu.memory_space<semaphore_mem>>)
    %dma_start3A_14 = arith.constant 0 : i32
    %dma_start3A_15 = tpu.memref_slice %arg3[%dma_start3A_14, %mul3A_2] : memref<5x16384xi32, #tpu.memory_space<hbm>> -> memref<5x512xi32, #tpu.memory_space<hbm>>
    %dma_start3A_16 = arith.constant 0 : i32
    %dma_start3A_17 = tpu.memref_slice %arg3[%dma_start3A_16, %mul3A_2] : memref<5x16384xi32, #tpu.memory_space<hbm>> -> memref<5x512xi32, #tpu.memory_space<hbm>>
    tpu.enqueue_dma source(%dma_start3A_17 : memref<5x512xi32, #tpu.memory_space<hbm>>) target(%arg10 : memref<5x512xi32, #tpu.memory_space<vmem>>) target_semaphore(%arg17 : memref<!tpu.dma_semaphore, #tpu.memory_space<semaphore_mem>>)
    tpu.enqueue_dma source(%arg4 : memref<3x6xf32, #tpu.memory_space<hbm>>) target(%arg11 : memref<3x6xf32, #tpu.memory_space<vmem>>) target_semaphore(%arg17 : memref<!tpu.dma_semaphore, #tpu.memory_space<semaphore_mem>>)
    tpu.enqueue_dma source(%arg5 : memref<4x7xf32, #tpu.memory_space<hbm>>) target(%arg12 : memref<4x7xf32, #tpu.memory_space<vmem>>) target_semaphore(%arg17 : memref<!tpu.dma_semaphore, #tpu.memory_space<semaphore_mem>>)
    tpu.enqueue_dma source(%arg6 : memref<6x12xf32, #tpu.memory_space<hbm>>) target(%arg13 : memref<6x12xf32, #tpu.memory_space<vmem>>) target_semaphore(%arg17 : memref<!tpu.dma_semaphore, #tpu.memory_space<semaphore_mem>>)
    tpu.enqueue_dma source(%arg7 : memref<4x7xf32, #tpu.memory_space<hbm>>) target(%arg14 : memref<4x7xf32, #tpu.memory_space<vmem>>) target_semaphore(%arg17 : memref<!tpu.dma_semaphore, #tpu.memory_space<semaphore_mem>>)
    tpu.enqueue_dma source(%arg8 : memref<50x96xf32, #tpu.memory_space<hbm>>) target(%arg15 : memref<50x96xf32, #tpu.memory_space<vmem>>) target_semaphore(%arg17 : memref<!tpu.dma_semaphore, #tpu.memory_space<semaphore_mem>>)
    %dma_wait3A = arith.constant 0 : i32
    %dma_wait3A_18 = arith.constant 0 : i32
    %dma_wait3A_19 = tpu.memref_slice %arg16[%dma_wait3A, %dma_wait3A_18] : memref<131x512xf32, #tpu.memory_space<vmem>> -> memref<64x512xf32, #tpu.memory_space<vmem>>
    %dma_wait3A_20 = arith.constant 0 : i32
    %dma_wait3A_21 = tpu.memref_slice %arg2[%dma_wait3A_20, %add3A_4] : memref<64x16384xf32, #tpu.memory_space<hbm>> -> memref<64x512xf32, #tpu.memory_space<hbm>>
    %dma_wait3A_22 = arith.constant 0 : i32
    %dma_wait3A_23 = arith.constant 0 : i32
    %dma_wait3A_24 = tpu.memref_slice %arg16[%dma_wait3A_22, %dma_wait3A_23] : memref<131x512xf32, #tpu.memory_space<vmem>> -> memref<64x512xf32, #tpu.memory_space<vmem>>
    %dma_wait3A_25 = arith.constant 0 : i32
    %dma_wait3A_26 = tpu.memref_slice %arg2[%dma_wait3A_25, %add3A_4] : memref<64x16384xf32, #tpu.memory_space<hbm>> -> memref<64x512xf32, #tpu.memory_space<hbm>>
    tpu.wait_dma2 semaphore(%arg18 : memref<!tpu.dma_semaphore, #tpu.memory_space<semaphore_mem>>) src(%dma_wait3A_26 : memref<64x512xf32, #tpu.memory_space<hbm>>) dst(%dma_wait3A_24 : memref<64x512xf32, #tpu.memory_space<vmem>>)
    %dma_start3A_27 = arith.constant 0 : i32
    %dma_start3A_28 = arith.constant 0 : i32
    %dma_start3A_29 = tpu.memref_slice %arg16[%dma_start3A_27, %dma_start3A_28] : memref<131x512xf32, #tpu.memory_space<vmem>> -> memref<64x512xf32, #tpu.memory_space<vmem>>
    %dma_start3A_30 = arith.constant 0 : i32
    %dma_start3A_31 = tpu.memref_slice %arg9[%dma_start3A_30, %mul3A_2] : memref<131x16384xf32, #tpu.memory_space<hbm>> -> memref<64x512xf32, #tpu.memory_space<hbm>>
    %dma_start3A_32 = arith.constant 0 : i32
    %dma_start3A_33 = tpu.memref_slice %arg9[%dma_start3A_32, %mul3A_2] : memref<131x16384xf32, #tpu.memory_space<hbm>> -> memref<64x512xf32, #tpu.memory_space<hbm>>
    %dma_start3A_34 = arith.constant 0 : i32
    %dma_start3A_35 = arith.constant 0 : i32
    %dma_start3A_36 = tpu.memref_slice %arg16[%dma_start3A_34, %dma_start3A_35] : memref<131x512xf32, #tpu.memory_space<vmem>> -> memref<64x512xf32, #tpu.memory_space<vmem>>
    tpu.enqueue_dma source(%dma_start3A_36 : memref<64x512xf32, #tpu.memory_space<vmem>>) target(%dma_start3A_33 : memref<64x512xf32, #tpu.memory_space<hbm>>) target_semaphore(%arg18 : memref<!tpu.dma_semaphore, #tpu.memory_space<semaphore_mem>>)
    %dma_wait3A_37 = arith.constant 0 : i32
    %dma_wait3A_38 = tpu.memref_slice %arg3[%dma_wait3A_37, %mul3A_2] : memref<5x16384xi32, #tpu.memory_space<hbm>> -> memref<5x512xi32, #tpu.memory_space<hbm>>
    %dma_wait3A_39 = arith.constant 0 : i32
    %dma_wait3A_40 = tpu.memref_slice %arg3[%dma_wait3A_39, %mul3A_2] : memref<5x16384xi32, #tpu.memory_space<hbm>> -> memref<5x512xi32, #tpu.memory_space<hbm>>
    tpu.wait_dma2 semaphore(%arg17 : memref<!tpu.dma_semaphore, #tpu.memory_space<semaphore_mem>>) src(%dma_wait3A_40 : memref<5x512xi32, #tpu.memory_space<hbm>>) dst(%arg10 : memref<5x512xi32, #tpu.memory_space<vmem>>)
    tpu.wait_dma2 semaphore(%arg17 : memref<!tpu.dma_semaphore, #tpu.memory_space<semaphore_mem>>) src(%arg4 : memref<3x6xf32, #tpu.memory_space<hbm>>) dst(%arg11 : memref<3x6xf32, #tpu.memory_space<vmem>>)
    tpu.wait_dma2 semaphore(%arg17 : memref<!tpu.dma_semaphore, #tpu.memory_space<semaphore_mem>>) src(%arg5 : memref<4x7xf32, #tpu.memory_space<hbm>>) dst(%arg12 : memref<4x7xf32, #tpu.memory_space<vmem>>)
    tpu.wait_dma2 semaphore(%arg17 : memref<!tpu.dma_semaphore, #tpu.memory_space<semaphore_mem>>) src(%arg6 : memref<6x12xf32, #tpu.memory_space<hbm>>) dst(%arg13 : memref<6x12xf32, #tpu.memory_space<vmem>>)
    tpu.wait_dma2 semaphore(%arg17 : memref<!tpu.dma_semaphore, #tpu.memory_space<semaphore_mem>>) src(%arg7 : memref<4x7xf32, #tpu.memory_space<hbm>>) dst(%arg14 : memref<4x7xf32, #tpu.memory_space<vmem>>)
    tpu.wait_dma2 semaphore(%arg17 : memref<!tpu.dma_semaphore, #tpu.memory_space<semaphore_mem>>) src(%arg8 : memref<50x96xf32, #tpu.memory_space<hbm>>) dst(%arg15 : memref<50x96xf32, #tpu.memory_space<vmem>>)
    %parallel_loop3A = arith.constant 0 : i32
    %parallel_loop3A_41 = arith.constant 512 : i32
    %parallel_loop3A_42 = arith.constant 16 : i32
    scf.for %parallel_loop3A_73 = %parallel_loop3A to %parallel_loop3A_41 step %parallel_loop3A_42  : i32 {
      %parallel_loop3A_74 = arith.constant 0 : i32
      %parallel_loop3A_75 = arith.index_cast %parallel_loop3A_74 : i32 to index
      %parallel_loop3A_76 = arith.index_cast %parallel_loop3A_73 : i32 to index
      %parallel_loop3A_77 = tpu.vector_load %arg10[%parallel_loop3A_75, %parallel_loop3A_76] {strides = array<i32>} : memref<5x512xi32, #tpu.memory_space<vmem>>, vector<16xi32>,
      %parallel_loop3A_78 = arith.constant 0 : i32
      %parallel_loop3A_79 = vector.broadcast %parallel_loop3A_78 : i32 to vector<16xi32>
      %parallel_loop3A_80 = tpu.vector_load_idx %arg11[%parallel_loop3A_79, %parallel_loop3A_77] : memref<3x6xf32, #tpu.memory_space<vmem>>[vector<16xi32>, vector<16xi32>], vector<16xf32>,
      %parallel_loop3A_81 = arith.constant 64 : i32
      %parallel_loop3A_82 = arith.index_cast %parallel_loop3A_81 : i32 to index
      %parallel_loop3A_83 = arith.index_cast %parallel_loop3A_73 : i32 to index
      %parallel_loop3A_84 = tpu.vector_load %arg16[%parallel_loop3A_82, %parallel_loop3A_83] {strides = array<i32>} : memref<131x512xf32, #tpu.memory_space<vmem>>, vector<16xf32>,
      tpu.vector_store %arg16[%parallel_loop3A_82, %parallel_loop3A_83], %parallel_loop3A_80 {strides = array<i32>} : memref<131x512xf32, #tpu.memory_space<vmem>>, vector<16xf32>,
      %parallel_loop3A_85 = arith.constant 1 : i32
      %parallel_loop3A_86 = vector.broadcast %parallel_loop3A_85 : i32 to vector<16xi32>
      %parallel_loop3A_87 = tpu.vector_load_idx %arg11[%parallel_loop3A_86, %parallel_loop3A_77] : memref<3x6xf32, #tpu.memory_space<vmem>>[vector<16xi32>, vector<16xi32>], vector<16xf32>,
      %parallel_loop3A_88 = arith.constant 65 : i32
      %parallel_loop3A_89 = arith.index_cast %parallel_loop3A_88 : i32 to index
      %parallel_loop3A_90 = arith.index_cast %parallel_loop3A_73 : i32 to index
      %parallel_loop3A_91 = tpu.vector_load %arg16[%parallel_loop3A_89, %parallel_loop3A_90] {strides = array<i32>} : memref<131x512xf32, #tpu.memory_space<vmem>>, vector<16xf32>,
      tpu.vector_store %arg16[%parallel_loop3A_89, %parallel_loop3A_90], %parallel_loop3A_87 {strides = array<i32>} : memref<131x512xf32, #tpu.memory_space<vmem>>, vector<16xf32>,
      %parallel_loop3A_92 = arith.constant 2 : i32
      %parallel_loop3A_93 = vector.broadcast %parallel_loop3A_92 : i32 to vector<16xi32>
      %parallel_loop3A_94 = tpu.vector_load_idx %arg11[%parallel_loop3A_93, %parallel_loop3A_77] : memref<3x6xf32, #tpu.memory_space<vmem>>[vector<16xi32>, vector<16xi32>], vector<16xf32>,
      %parallel_loop3A_95 = arith.constant 66 : i32
      %parallel_loop3A_96 = arith.index_cast %parallel_loop3A_95 : i32 to index
      %parallel_loop3A_97 = arith.index_cast %parallel_loop3A_73 : i32 to index
      %parallel_loop3A_98 = tpu.vector_load %arg16[%parallel_loop3A_96, %parallel_loop3A_97] {strides = array<i32>} : memref<131x512xf32, #tpu.memory_space<vmem>>, vector<16xf32>,
      tpu.vector_store %arg16[%parallel_loop3A_96, %parallel_loop3A_97], %parallel_loop3A_94 {strides = array<i32>} : memref<131x512xf32, #tpu.memory_space<vmem>>, vector<16xf32>,
      %parallel_loop3A_99 = arith.constant 1 : i32
      %parallel_loop3A_100 = arith.index_cast %parallel_loop3A_99 : i32 to index
      %parallel_loop3A_101 = arith.index_cast %parallel_loop3A_73 : i32 to index
      %parallel_loop3A_102 = tpu.vector_load %arg10[%parallel_loop3A_100, %parallel_loop3A_101] {strides = array<i32>} : memref<5x512xi32, #tpu.memory_space<vmem>>, vector<16xi32>,
      %parallel_loop3A_103 = arith.constant 0 : i32
      %parallel_loop3A_104 = vector.broadcast %parallel_loop3A_103 : i32 to vector<16xi32>
      %parallel_loop3A_105 = tpu.vector_load_idx %arg12[%parallel_loop3A_104, %parallel_loop3A_102] : memref<4x7xf32, #tpu.memory_space<vmem>>[vector<16xi32>, vector<16xi32>], vector<16xf32>,
      %parallel_loop3A_106 = arith.constant 67 : i32
      %parallel_loop3A_107 = arith.index_cast %parallel_loop3A_106 : i32 to index
      %parallel_loop3A_108 = arith.index_cast %parallel_loop3A_73 : i32 to index
      %parallel_loop3A_109 = tpu.vector_load %arg16[%parallel_loop3A_107, %parallel_loop3A_108] {strides = array<i32>} : memref<131x512xf32, #tpu.memory_space<vmem>>, vector<16xf32>,
      tpu.vector_store %arg16[%parallel_loop3A_107, %parallel_loop3A_108], %parallel_loop3A_105 {strides = array<i32>} : memref<131x512xf32, #tpu.memory_space<vmem>>, vector<16xf32>,
      %parallel_loop3A_110 = arith.constant 1 : i32
      %parallel_loop3A_111 = vector.broadcast %parallel_loop3A_110 : i32 to vector<16xi32>
      %parallel_loop3A_112 = tpu.vector_load_idx %arg12[%parallel_loop3A_111, %parallel_loop3A_102] : memref<4x7xf32, #tpu.memory_space<vmem>>[vector<16xi32>, vector<16xi32>], vector<16xf32>,
      %parallel_loop3A_113 = arith.constant 68 : i32
      %parallel_loop3A_114 = arith.index_cast %parallel_loop3A_113 : i32 to index
      %parallel_loop3A_115 = arith.index_cast %parallel_loop3A_73 : i32 to index
      %parallel_loop3A_116 = tpu.vector_load %arg16[%parallel_loop3A_114, %parallel_loop3A_115] {strides = array<i32>} : memref<131x512xf32, #tpu.memory_space<vmem>>, vector<16xf32>,
      tpu.vector_store %arg16[%parallel_loop3A_114, %parallel_loop3A_115], %parallel_loop3A_112 {strides = array<i32>} : memref<131x512xf32, #tpu.memory_space<vmem>>, vector<16xf32>,
      %parallel_loop3A_117 = arith.constant 2 : i32
      %parallel_loop3A_118 = vector.broadcast %parallel_loop3A_117 : i32 to vector<16xi32>
      %parallel_loop3A_119 = tpu.vector_load_idx %arg12[%parallel_loop3A_118, %parallel_loop3A_102] : memref<4x7xf32, #tpu.memory_space<vmem>>[vector<16xi32>, vector<16xi32>], vector<16xf32>,
      %parallel_loop3A_120 = arith.constant 69 : i32
      %parallel_loop3A_121 = arith.index_cast %parallel_loop3A_120 : i32 to index
      %parallel_loop3A_122 = arith.index_cast %parallel_loop3A_73 : i32 to index
      %parallel_loop3A_123 = tpu.vector_load %arg16[%parallel_loop3A_121, %parallel_loop3A_122] {strides = array<i32>} : memref<131x512xf32, #tpu.memory_space<vmem>>, vector<16xf32>,
      tpu.vector_store %arg16[%parallel_loop3A_121, %parallel_loop3A_122], %parallel_loop3A_119 {strides = array<i32>} : memref<131x512xf32, #tpu.memory_space<vmem>>, vector<16xf32>,
      %parallel_loop3A_124 = arith.constant 3 : i32
      %parallel_loop3A_125 = vector.broadcast %parallel_loop3A_124 : i32 to vector<16xi32>
      %parallel_loop3A_126 = tpu.vector_load_idx %arg12[%parallel_loop3A_125, %parallel_loop3A_102] : memref<4x7xf32, #tpu.memory_space<vmem>>[vector<16xi32>, vector<16xi32>], vector<16xf32>,
      %parallel_loop3A_127 = arith.constant 70 : i32
      %parallel_loop3A_128 = arith.index_cast %parallel_loop3A_127 : i32 to index
      %parallel_loop3A_129 = arith.index_cast %parallel_loop3A_73 : i32 to index
      %parallel_loop3A_130 = tpu.vector_load %arg16[%parallel_loop3A_128, %parallel_loop3A_129] {strides = array<i32>} : memref<131x512xf32, #tpu.memory_space<vmem>>, vector<16xf32>,
      tpu.vector_store %arg16[%parallel_loop3A_128, %parallel_loop3A_129], %parallel_loop3A_126 {strides = array<i32>} : memref<131x512xf32, #tpu.memory_space<vmem>>, vector<16xf32>,
      %parallel_loop3A_131 = arith.constant 2 : i32
      %parallel_loop3A_132 = arith.index_cast %parallel_loop3A_131 : i32 to index
      %parallel_loop3A_133 = arith.index_cast %parallel_loop3A_73 : i32 to index
      %parallel_loop3A_134 = tpu.vector_load %arg10[%parallel_loop3A_132, %parallel_loop3A_133] {strides = array<i32>} : memref<5x512xi32, #tpu.memory_space<vmem>>, vector<16xi32>,
      %parallel_loop3A_135 = arith.constant 0 : i32
      %parallel_loop3A_136 = vector.broadcast %parallel_loop3A_135 : i32 to vector<16xi32>
      %parallel_loop3A_137 = tpu.vector_load_idx %arg13[%parallel_loop3A_136, %parallel_loop3A_134] : memref<6x12xf32, #tpu.memory_space<vmem>>[vector<16xi32>, vector<16xi32>], vector<16xf32>,
      %parallel_loop3A_138 = arith.constant 71 : i32
      %parallel_loop3A_139 = arith.index_cast %parallel_loop3A_138 : i32 to index
      %parallel_loop3A_140 = arith.index_cast %parallel_loop3A_73 : i32 to index
      %parallel_loop3A_141 = tpu.vector_load %arg16[%parallel_loop3A_139, %parallel_loop3A_140] {strides = array<i32>} : memref<131x512xf32, #tpu.memory_space<vmem>>, vector<16xf32>,
      tpu.vector_store %arg16[%parallel_loop3A_139, %parallel_loop3A_140], %parallel_loop3A_137 {strides = array<i32>} : memref<131x512xf32, #tpu.memory_space<vmem>>, vector<16xf32>,
      %parallel_loop3A_142 = arith.constant 1 : i32
      %parallel_loop3A_143 = vector.broadcast %parallel_loop3A_142 : i32 to vector<16xi32>
      %parallel_loop3A_144 = tpu.vector_load_idx %arg13[%parallel_loop3A_143, %parallel_loop3A_134] : memref<6x12xf32, #tpu.memory_space<vmem>>[vector<16xi32>, vector<16xi32>], vector<16xf32>,
      %parallel_loop3A_145 = arith.constant 72 : i32
      %parallel_loop3A_146 = arith.index_cast %parallel_loop3A_145 : i32 to index
      %parallel_loop3A_147 = arith.index_cast %parallel_loop3A_73 : i32 to index
      %parallel_loop3A_148 = tpu.vector_load %arg16[%parallel_loop3A_146, %parallel_loop3A_147] {strides = array<i32>} : memref<131x512xf32, #tpu.memory_space<vmem>>, vector<16xf32>,
      tpu.vector_store %arg16[%parallel_loop3A_146, %parallel_loop3A_147], %parallel_loop3A_144 {strides = array<i32>} : memref<131x512xf32, #tpu.memory_space<vmem>>, vector<16xf32>,
      %parallel_loop3A_149 = arith.constant 2 : i32
      %parallel_loop3A_150 = vector.broadcast %parallel_loop3A_149 : i32 to vector<16xi32>
      %parallel_loop3A_151 = tpu.vector_load_idx %arg13[%parallel_loop3A_150, %parallel_loop3A_134] : memref<6x12xf32, #tpu.memory_space<vmem>>[vector<16xi32>, vector<16xi32>], vector<16xf32>,
      %parallel_loop3A_152 = arith.constant 73 : i32
      %parallel_loop3A_153 = arith.index_cast %parallel_loop3A_152 : i32 to index
      %parallel_loop3A_154 = arith.index_cast %parallel_loop3A_73 : i32 to index
      %parallel_loop3A_155 = tpu.vector_load %arg16[%parallel_loop3A_153, %parallel_loop3A_154] {strides = array<i32>} : memref<131x512xf32, #tpu.memory_space<vmem>>, vector<16xf32>,
      tpu.vector_store %arg16[%parallel_loop3A_153, %parallel_loop3A_154], %parallel_loop3A_151 {strides = array<i32>} : memref<131x512xf32, #tpu.memory_space<vmem>>, vector<16xf32>,
      %parallel_loop3A_156 = arith.constant 3 : i32
      %parallel_loop3A_157 = vector.broadcast %parallel_loop3A_156 : i32 to vector<16xi32>
      %parallel_loop3A_158 = tpu.vector_load_idx %arg13[%parallel_loop3A_157, %parallel_loop3A_134] : memref<6x12xf32, #tpu.memory_space<vmem>>[vector<16xi32>, vector<16xi32>], vector<16xf32>,
      %parallel_loop3A_159 = arith.constant 74 : i32
      %parallel_loop3A_160 = arith.index_cast %parallel_loop3A_159 : i32 to index
      %parallel_loop3A_161 = arith.index_cast %parallel_loop3A_73 : i32 to index
      %parallel_loop3A_162 = tpu.vector_load %arg16[%parallel_loop3A_160, %parallel_loop3A_161] {strides = array<i32>} : memref<131x512xf32, #tpu.memory_space<vmem>>, vector<16xf32>,
      tpu.vector_store %arg16[%parallel_loop3A_160, %parallel_loop3A_161], %parallel_loop3A_158 {strides = array<i32>} : memref<131x512xf32, #tpu.memory_space<vmem>>, vector<16xf32>,
      %parallel_loop3A_163 = arith.constant 4 : i32
      %parallel_loop3A_164 = vector.broadcast %parallel_loop3A_163 : i32 to vector<16xi32>
      %parallel_loop3A_165 = tpu.vector_load_idx %arg13[%parallel_loop3A_164, %parallel_loop3A_134] : memref<6x12xf32, #tpu.memory_space<vmem>>[vector<16xi32>, vector<16xi32>], vector<16xf32>,
      %parallel_loop3A_166 = arith.constant 75 : i32
      %parallel_loop3A_167 = arith.index_cast %parallel_loop3A_166 : i32 to index
      %parallel_loop3A_168 = arith.index_cast %parallel_loop3A_73 : i32 to index
      %parallel_loop3A_169 = tpu.vector_load %arg16[%parallel_loop3A_167, %parallel_loop3A_168] {strides = array<i32>} : memref<131x512xf32, #tpu.memory_space<vmem>>, vector<16xf32>,
      tpu.vector_store %arg16[%parallel_loop3A_167, %parallel_loop3A_168], %parallel_loop3A_165 {strides = array<i32>} : memref<131x512xf32, #tpu.memory_space<vmem>>, vector<16xf32>,
      %parallel_loop3A_170 = arith.constant 5 : i32
      %parallel_loop3A_171 = vector.broadcast %parallel_loop3A_170 : i32 to vector<16xi32>
      %parallel_loop3A_172 = tpu.vector_load_idx %arg13[%parallel_loop3A_171, %parallel_loop3A_134] : memref<6x12xf32, #tpu.memory_space<vmem>>[vector<16xi32>, vector<16xi32>], vector<16xf32>,
      %parallel_loop3A_173 = arith.constant 76 : i32
      %parallel_loop3A_174 = arith.index_cast %parallel_loop3A_173 : i32 to index
      %parallel_loop3A_175 = arith.index_cast %parallel_loop3A_73 : i32 to index
      %parallel_loop3A_176 = tpu.vector_load %arg16[%parallel_loop3A_174, %parallel_loop3A_175] {strides = array<i32>} : memref<131x512xf32, #tpu.memory_space<vmem>>, vector<16xf32>,
      tpu.vector_store %arg16[%parallel_loop3A_174, %parallel_loop3A_175], %parallel_loop3A_172 {strides = array<i32>} : memref<131x512xf32, #tpu.memory_space<vmem>>, vector<16xf32>,
      %parallel_loop3A_177 = arith.constant 3 : i32
      %parallel_loop3A_178 = arith.index_cast %parallel_loop3A_177 : i32 to index
      %parallel_loop3A_179 = arith.index_cast %parallel_loop3A_73 : i32 to index
      %parallel_loop3A_180 = tpu.vector_load %arg10[%parallel_loop3A_178, %parallel_loop3A_179] {strides = array<i32>} : memref<5x512xi32, #tpu.memory_space<vmem>>, vector<16xi32>,
      %parallel_loop3A_181 = arith.constant 0 : i32
      %parallel_loop3A_182 = vector.broadcast %parallel_loop3A_181 : i32 to vector<16xi32>
      %parallel_loop3A_183 = tpu.vector_load_idx %arg14[%parallel_loop3A_182, %parallel_loop3A_180] : memref<4x7xf32, #tpu.memory_space<vmem>>[vector<16xi32>, vector<16xi32>], vector<16xf32>,
      %parallel_loop3A_184 = arith.constant 77 : i32
      %parallel_loop3A_185 = arith.index_cast %parallel_loop3A_184 : i32 to index
      %parallel_loop3A_186 = arith.index_cast %parallel_loop3A_73 : i32 to index
      %parallel_loop3A_187 = tpu.vector_load %arg16[%parallel_loop3A_185, %parallel_loop3A_186] {strides = array<i32>} : memref<131x512xf32, #tpu.memory_space<vmem>>, vector<16xf32>,
      tpu.vector_store %arg16[%parallel_loop3A_185, %parallel_loop3A_186], %parallel_loop3A_183 {strides = array<i32>} : memref<131x512xf32, #tpu.memory_space<vmem>>, vector<16xf32>,
      %parallel_loop3A_188 = arith.constant 1 : i32
      %parallel_loop3A_189 = vector.broadcast %parallel_loop3A_188 : i32 to vector<16xi32>
      %parallel_loop3A_190 = tpu.vector_load_idx %arg14[%parallel_loop3A_189, %parallel_loop3A_180] : memref<4x7xf32, #tpu.memory_space<vmem>>[vector<16xi32>, vector<16xi32>], vector<16xf32>,
      %parallel_loop3A_191 = arith.constant 78 : i32
      %parallel_loop3A_192 = arith.index_cast %parallel_loop3A_191 : i32 to index
      %parallel_loop3A_193 = arith.index_cast %parallel_loop3A_73 : i32 to index
      %parallel_loop3A_194 = tpu.vector_load %arg16[%parallel_loop3A_192, %parallel_loop3A_193] {strides = array<i32>} : memref<131x512xf32, #tpu.memory_space<vmem>>, vector<16xf32>,
      tpu.vector_store %arg16[%parallel_loop3A_192, %parallel_loop3A_193], %parallel_loop3A_190 {strides = array<i32>} : memref<131x512xf32, #tpu.memory_space<vmem>>, vector<16xf32>,
      %parallel_loop3A_195 = arith.constant 2 : i32
      %parallel_loop3A_196 = vector.broadcast %parallel_loop3A_195 : i32 to vector<16xi32>
      %parallel_loop3A_197 = tpu.vector_load_idx %arg14[%parallel_loop3A_196, %parallel_loop3A_180] : memref<4x7xf32, #tpu.memory_space<vmem>>[vector<16xi32>, vector<16xi32>], vector<16xf32>,
      %parallel_loop3A_198 = arith.constant 79 : i32
      %parallel_loop3A_199 = arith.index_cast %parallel_loop3A_198 : i32 to index
      %parallel_loop3A_200 = arith.index_cast %parallel_loop3A_73 : i32 to index
      %parallel_loop3A_201 = tpu.vector_load %arg16[%parallel_loop3A_199, %parallel_loop3A_200] {strides = array<i32>} : memref<131x512xf32, #tpu.memory_space<vmem>>, vector<16xf32>,
      tpu.vector_store %arg16[%parallel_loop3A_199, %parallel_loop3A_200], %parallel_loop3A_197 {strides = array<i32>} : memref<131x512xf32, #tpu.memory_space<vmem>>, vector<16xf32>,
      %parallel_loop3A_202 = arith.constant 3 : i32
      %parallel_loop3A_203 = vector.broadcast %parallel_loop3A_202 : i32 to vector<16xi32>
      %parallel_loop3A_204 = tpu.vector_load_idx %arg14[%parallel_loop3A_203, %parallel_loop3A_180] : memref<4x7xf32, #tpu.memory_space<vmem>>[vector<16xi32>, vector<16xi32>], vector<16xf32>,
      %parallel_loop3A_205 = arith.constant 80 : i32
      %parallel_loop3A_206 = arith.index_cast %parallel_loop3A_205 : i32 to index
      %parallel_loop3A_207 = arith.index_cast %parallel_loop3A_73 : i32 to index
      %parallel_loop3A_208 = tpu.vector_load %arg16[%parallel_loop3A_206, %parallel_loop3A_207] {strides = array<i32>} : memref<131x512xf32, #tpu.memory_space<vmem>>, vector<16xf32>,
      tpu.vector_store %arg16[%parallel_loop3A_206, %parallel_loop3A_207], %parallel_loop3A_204 {strides = array<i32>} : memref<131x512xf32, #tpu.memory_space<vmem>>, vector<16xf32>,
      %parallel_loop3A_209 = arith.constant 4 : i32
      %parallel_loop3A_210 = arith.index_cast %parallel_loop3A_209 : i32 to index
      %parallel_loop3A_211 = arith.index_cast %parallel_loop3A_73 : i32 to index
      %parallel_loop3A_212 = tpu.vector_load %arg10[%parallel_loop3A_210, %parallel_loop3A_211] {strides = array<i32>} : memref<5x512xi32, #tpu.memory_space<vmem>>, vector<16xi32>,
      %parallel_loop3A_213 = arith.constant 0 : i32
      %parallel_loop3A_214 = vector.broadcast %parallel_loop3A_213 : i32 to vector<16xi32>
      %parallel_loop3A_215 = tpu.vector_load_idx %arg15[%parallel_loop3A_214, %parallel_loop3A_212] : memref<50x96xf32, #tpu.memory_space<vmem>>[vector<16xi32>, vector<16xi32>], vector<16xf32>,
      %parallel_loop3A_216 = arith.constant 81 : i32
      %parallel_loop3A_217 = arith.index_cast %parallel_loop3A_216 : i32 to index
      %parallel_loop3A_218 = arith.index_cast %parallel_loop3A_73 : i32 to index
      %parallel_loop3A_219 = tpu.vector_load %arg16[%parallel_loop3A_217, %parallel_loop3A_218] {strides = array<i32>} : memref<131x512xf32, #tpu.memory_space<vmem>>, vector<16xf32>,
      tpu.vector_store %arg16[%parallel_loop3A_217, %parallel_loop3A_218], %parallel_loop3A_215 {strides = array<i32>} : memref<131x512xf32, #tpu.memory_space<vmem>>, vector<16xf32>,
      %parallel_loop3A_220 = arith.constant 1 : i32
      %parallel_loop3A_221 = vector.broadcast %parallel_loop3A_220 : i32 to vector<16xi32>
      %parallel_loop3A_222 = tpu.vector_load_idx %arg15[%parallel_loop3A_221, %parallel_loop3A_212] : memref<50x96xf32, #tpu.memory_space<vmem>>[vector<16xi32>, vector<16xi32>], vector<16xf32>,
      %parallel_loop3A_223 = arith.constant 82 : i32
      %parallel_loop3A_224 = arith.index_cast %parallel_loop3A_223 : i32 to index
      %parallel_loop3A_225 = arith.index_cast %parallel_loop3A_73 : i32 to index
      %parallel_loop3A_226 = tpu.vector_load %arg16[%parallel_loop3A_224, %parallel_loop3A_225] {strides = array<i32>} : memref<131x512xf32, #tpu.memory_space<vmem>>, vector<16xf32>,
      tpu.vector_store %arg16[%parallel_loop3A_224, %parallel_loop3A_225], %parallel_loop3A_222 {strides = array<i32>} : memref<131x512xf32, #tpu.memory_space<vmem>>, vector<16xf32>,
      %parallel_loop3A_227 = arith.constant 2 : i32
      %parallel_loop3A_228 = vector.broadcast %parallel_loop3A_227 : i32 to vector<16xi32>
      %parallel_loop3A_229 = tpu.vector_load_idx %arg15[%parallel_loop3A_228, %parallel_loop3A_212] : memref<50x96xf32, #tpu.memory_space<vmem>>[vector<16xi32>, vector<16xi32>], vector<16xf32>,
      %parallel_loop3A_230 = arith.constant 83 : i32
      %parallel_loop3A_231 = arith.index_cast %parallel_loop3A_230 : i32 to index
      %parallel_loop3A_232 = arith.index_cast %parallel_loop3A_73 : i32 to index
      %parallel_loop3A_233 = tpu.vector_load %arg16[%parallel_loop3A_231, %parallel_loop3A_232] {strides = array<i32>} : memref<131x512xf32, #tpu.memory_space<vmem>>, vector<16xf32>,
      tpu.vector_store %arg16[%parallel_loop3A_231, %parallel_loop3A_232], %parallel_loop3A_229 {strides = array<i32>} : memref<131x512xf32, #tpu.memory_space<vmem>>, vector<16xf32>,
      %parallel_loop3A_234 = arith.constant 3 : i32
      %parallel_loop3A_235 = vector.broadcast %parallel_loop3A_234 : i32 to vector<16xi32>
      %parallel_loop3A_236 = tpu.vector_load_idx %arg15[%parallel_loop3A_235, %parallel_loop3A_212] : memref<50x96xf32, #tpu.memory_space<vmem>>[vector<16xi32>, vector<16xi32>], vector<16xf32>,
      %parallel_loop3A_237 = arith.constant 84 : i32
      %parallel_loop3A_238 = arith.index_cast %parallel_loop3A_237 : i32 to index
      %parallel_loop3A_239 = arith.index_cast %parallel_loop3A_73 : i32 to index
      %parallel_loop3A_240 = tpu.vector_load %arg16[%parallel_loop3A_238, %parallel_loop3A_239] {strides = array<i32>} : memref<131x512xf32, #tpu.memory_space<vmem>>, vector<16xf32>,
      tpu.vector_store %arg16[%parallel_loop3A_238, %parallel_loop3A_239], %parallel_loop3A_236 {strides = array<i32>} : memref<131x512xf32, #tpu.memory_space<vmem>>, vector<16xf32>,
      %parallel_loop3A_241 = arith.constant 4 : i32
      %parallel_loop3A_242 = vector.broadcast %parallel_loop3A_241 : i32 to vector<16xi32>
      %parallel_loop3A_243 = tpu.vector_load_idx %arg15[%parallel_loop3A_242, %parallel_loop3A_212] : memref<50x96xf32, #tpu.memory_space<vmem>>[vector<16xi32>, vector<16xi32>], vector<16xf32>,
      %parallel_loop3A_244 = arith.constant 85 : i32
      %parallel_loop3A_245 = arith.index_cast %parallel_loop3A_244 : i32 to index
      %parallel_loop3A_246 = arith.index_cast %parallel_loop3A_73 : i32 to index
      %parallel_loop3A_247 = tpu.vector_load %arg16[%parallel_loop3A_245, %parallel_loop3A_246] {strides = array<i32>} : memref<131x512xf32, #tpu.memory_space<vmem>>, vector<16xf32>,
      tpu.vector_store %arg16[%parallel_loop3A_245, %parallel_loop3A_246], %parallel_loop3A_243 {strides = array<i32>} : memref<131x512xf32, #tpu.memory_space<vmem>>, vector<16xf32>,
      %parallel_loop3A_248 = arith.constant 5 : i32
      %parallel_loop3A_249 = vector.broadcast %parallel_loop3A_248 : i32 to vector<16xi32>
      %parallel_loop3A_250 = tpu.vector_load_idx %arg15[%parallel_loop3A_249, %parallel_loop3A_212] : memref<50x96xf32, #tpu.memory_space<vmem>>[vector<16xi32>, vector<16xi32>], vector<16xf32>,
      %parallel_loop3A_251 = arith.constant 86 : i32
      %parallel_loop3A_252 = arith.index_cast %parallel_loop3A_251 : i32 to index
      %parallel_loop3A_253 = arith.index_cast %parallel_loop3A_73 : i32 to index
      %parallel_loop3A_254 = tpu.vector_load %arg16[%parallel_loop3A_252, %parallel_loop3A_253] {strides = array<i32>} : memref<131x512xf32, #tpu.memory_space<vmem>>, vector<16xf32>,
      tpu.vector_store %arg16[%parallel_loop3A_252, %parallel_loop3A_253], %parallel_loop3A_250 {strides = array<i32>} : memref<131x512xf32, #tpu.memory_space<vmem>>, vector<16xf32>,
      %parallel_loop3A_255 = arith.constant 6 : i32
      %parallel_loop3A_256 = vector.broadcast %parallel_loop3A_255 : i32 to vector<16xi32>
      %parallel_loop3A_257 = tpu.vector_load_idx %arg15[%parallel_loop3A_256, %parallel_loop3A_212] : memref<50x96xf32, #tpu.memory_space<vmem>>[vector<16xi32>, vector<16xi32>], vector<16xf32>,
      %parallel_loop3A_258 = arith.constant 87 : i32
      %parallel_loop3A_259 = arith.index_cast %parallel_loop3A_258 : i32 to index
      %parallel_loop3A_260 = arith.index_cast %parallel_loop3A_73 : i32 to index
      %parallel_loop3A_261 = tpu.vector_load %arg16[%parallel_loop3A_259, %parallel_loop3A_260] {strides = array<i32>} : memref<131x512xf32, #tpu.memory_space<vmem>>, vector<16xf32>,
      tpu.vector_store %arg16[%parallel_loop3A_259, %parallel_loop3A_260], %parallel_loop3A_257 {strides = array<i32>} : memref<131x512xf32, #tpu.memory_space<vmem>>, vector<16xf32>,
      %parallel_loop3A_262 = arith.constant 7 : i32
      %parallel_loop3A_263 = vector.broadcast %parallel_loop3A_262 : i32 to vector<16xi32>
      %parallel_loop3A_264 = tpu.vector_load_idx %arg15[%parallel_loop3A_263, %parallel_loop3A_212] : memref<50x96xf32, #tpu.memory_space<vmem>>[vector<16xi32>, vector<16xi32>], vector<16xf32>,
      %parallel_loop3A_265 = arith.constant 88 : i32
      %parallel_loop3A_266 = arith.index_cast %parallel_loop3A_265 : i32 to index
      %parallel_loop3A_267 = arith.index_cast %parallel_loop3A_73 : i32 to index
      %parallel_loop3A_268 = tpu.vector_load %arg16[%parallel_loop3A_266, %parallel_loop3A_267] {strides = array<i32>} : memref<131x512xf32, #tpu.memory_space<vmem>>, vector<16xf32>,
      tpu.vector_store %arg16[%parallel_loop3A_266, %parallel_loop3A_267], %parallel_loop3A_264 {strides = array<i32>} : memref<131x512xf32, #tpu.memory_space<vmem>>, vector<16xf32>,
      %parallel_loop3A_269 = arith.constant 8 : i32
      %parallel_loop3A_270 = vector.broadcast %parallel_loop3A_269 : i32 to vector<16xi32>
      %parallel_loop3A_271 = tpu.vector_load_idx %arg15[%parallel_loop3A_270, %parallel_loop3A_212] : memref<50x96xf32, #tpu.memory_space<vmem>>[vector<16xi32>, vector<16xi32>], vector<16xf32>,
      %parallel_loop3A_272 = arith.constant 89 : i32
      %parallel_loop3A_273 = arith.index_cast %parallel_loop3A_272 : i32 to index
      %parallel_loop3A_274 = arith.index_cast %parallel_loop3A_73 : i32 to index
      %parallel_loop3A_275 = tpu.vector_load %arg16[%parallel_loop3A_273, %parallel_loop3A_274] {strides = array<i32>} : memref<131x512xf32, #tpu.memory_space<vmem>>, vector<16xf32>,
      tpu.vector_store %arg16[%parallel_loop3A_273, %parallel_loop3A_274], %parallel_loop3A_271 {strides = array<i32>} : memref<131x512xf32, #tpu.memory_space<vmem>>, vector<16xf32>,
      %parallel_loop3A_276 = arith.constant 9 : i32
      %parallel_loop3A_277 = vector.broadcast %parallel_loop3A_276 : i32 to vector<16xi32>
      %parallel_loop3A_278 = tpu.vector_load_idx %arg15[%parallel_loop3A_277, %parallel_loop3A_212] : memref<50x96xf32, #tpu.memory_space<vmem>>[vector<16xi32>, vector<16xi32>], vector<16xf32>,
      %parallel_loop3A_279 = arith.constant 90 : i32
      %parallel_loop3A_280 = arith.index_cast %parallel_loop3A_279 : i32 to index
      %parallel_loop3A_281 = arith.index_cast %parallel_loop3A_73 : i32 to index
      %parallel_loop3A_282 = tpu.vector_load %arg16[%parallel_loop3A_280, %parallel_loop3A_281] {strides = array<i32>} : memref<131x512xf32, #tpu.memory_space<vmem>>, vector<16xf32>,
      tpu.vector_store %arg16[%parallel_loop3A_280, %parallel_loop3A_281], %parallel_loop3A_278 {strides = array<i32>} : memref<131x512xf32, #tpu.memory_space<vmem>>, vector<16xf32>,
      %parallel_loop3A_283 = arith.constant 10 : i32
      %parallel_loop3A_284 = vector.broadcast %parallel_loop3A_283 : i32 to vector<16xi32>
      %parallel_loop3A_285 = tpu.vector_load_idx %arg15[%parallel_loop3A_284, %parallel_loop3A_212] : memref<50x96xf32, #tpu.memory_space<vmem>>[vector<16xi32>, vector<16xi32>], vector<16xf32>,
      %parallel_loop3A_286 = arith.constant 91 : i32
      %parallel_loop3A_287 = arith.index_cast %parallel_loop3A_286 : i32 to index
      %parallel_loop3A_288 = arith.index_cast %parallel_loop3A_73 : i32 to index
      %parallel_loop3A_289 = tpu.vector_load %arg16[%parallel_loop3A_287, %parallel_loop3A_288] {strides = array<i32>} : memref<131x512xf32, #tpu.memory_space<vmem>>, vector<16xf32>,
      tpu.vector_store %arg16[%parallel_loop3A_287, %parallel_loop3A_288], %parallel_loop3A_285 {strides = array<i32>} : memref<131x512xf32, #tpu.memory_space<vmem>>, vector<16xf32>,
      %parallel_loop3A_290 = arith.constant 11 : i32
      %parallel_loop3A_291 = vector.broadcast %parallel_loop3A_290 : i32 to vector<16xi32>
      %parallel_loop3A_292 = tpu.vector_load_idx %arg15[%parallel_loop3A_291, %parallel_loop3A_212] : memref<50x96xf32, #tpu.memory_space<vmem>>[vector<16xi32>, vector<16xi32>], vector<16xf32>,
      %parallel_loop3A_293 = arith.constant 92 : i32
      %parallel_loop3A_294 = arith.index_cast %parallel_loop3A_293 : i32 to index
      %parallel_loop3A_295 = arith.index_cast %parallel_loop3A_73 : i32 to index
      %parallel_loop3A_296 = tpu.vector_load %arg16[%parallel_loop3A_294, %parallel_loop3A_295] {strides = array<i32>} : memref<131x512xf32, #tpu.memory_space<vmem>>, vector<16xf32>,
      tpu.vector_store %arg16[%parallel_loop3A_294, %parallel_loop3A_295], %parallel_loop3A_292 {strides = array<i32>} : memref<131x512xf32, #tpu.memory_space<vmem>>, vector<16xf32>,
      %parallel_loop3A_297 = arith.constant 12 : i32
      %parallel_loop3A_298 = vector.broadcast %parallel_loop3A_297 : i32 to vector<16xi32>
      %parallel_loop3A_299 = tpu.vector_load_idx %arg15[%parallel_loop3A_298, %parallel_loop3A_212] : memref<50x96xf32, #tpu.memory_space<vmem>>[vector<16xi32>, vector<16xi32>], vector<16xf32>,
      %parallel_loop3A_300 = arith.constant 93 : i32
      %parallel_loop3A_301 = arith.index_cast %parallel_loop3A_300 : i32 to index
      %parallel_loop3A_302 = arith.index_cast %parallel_loop3A_73 : i32 to index
      %parallel_loop3A_303 = tpu.vector_load %arg16[%parallel_loop3A_301, %parallel_loop3A_302] {strides = array<i32>} : memref<131x512xf32, #tpu.memory_space<vmem>>, vector<16xf32>,
      tpu.vector_store %arg16[%parallel_loop3A_301, %parallel_loop3A_302], %parallel_loop3A_299 {strides = array<i32>} : memref<131x512xf32, #tpu.memory_space<vmem>>, vector<16xf32>,
      %parallel_loop3A_304 = arith.constant 13 : i32
      %parallel_loop3A_305 = vector.broadcast %parallel_loop3A_304 : i32 to vector<16xi32>
      %parallel_loop3A_306 = tpu.vector_load_idx %arg15[%parallel_loop3A_305, %parallel_loop3A_212] : memref<50x96xf32, #tpu.memory_space<vmem>>[vector<16xi32>, vector<16xi32>], vector<16xf32>,
      %parallel_loop3A_307 = arith.constant 94 : i32
      %parallel_loop3A_308 = arith.index_cast %parallel_loop3A_307 : i32 to index
      %parallel_loop3A_309 = arith.index_cast %parallel_loop3A_73 : i32 to index
      %parallel_loop3A_310 = tpu.vector_load %arg16[%parallel_loop3A_308, %parallel_loop3A_309] {strides = array<i32>} : memref<131x512xf32, #tpu.memory_space<vmem>>, vector<16xf32>,
      tpu.vector_store %arg16[%parallel_loop3A_308, %parallel_loop3A_309], %parallel_loop3A_306 {strides = array<i32>} : memref<131x512xf32, #tpu.memory_space<vmem>>, vector<16xf32>,
      %parallel_loop3A_311 = arith.constant 14 : i32
      %parallel_loop3A_312 = vector.broadcast %parallel_loop3A_311 : i32 to vector<16xi32>
      %parallel_loop3A_313 = tpu.vector_load_idx %arg15[%parallel_loop3A_312, %parallel_loop3A_212] : memref<50x96xf32, #tpu.memory_space<vmem>>[vector<16xi32>, vector<16xi32>], vector<16xf32>,
      %parallel_loop3A_314 = arith.constant 95 : i32
      %parallel_loop3A_315 = arith.index_cast %parallel_loop3A_314 : i32 to index
      %parallel_loop3A_316 = arith.index_cast %parallel_loop3A_73 : i32 to index
      %parallel_loop3A_317 = tpu.vector_load %arg16[%parallel_loop3A_315, %parallel_loop3A_316] {strides = array<i32>} : memref<131x512xf32, #tpu.memory_space<vmem>>, vector<16xf32>,
      tpu.vector_store %arg16[%parallel_loop3A_315, %parallel_loop3A_316], %parallel_loop3A_313 {strides = array<i32>} : memref<131x512xf32, #tpu.memory_space<vmem>>, vector<16xf32>,
      %parallel_loop3A_318 = arith.constant 15 : i32
      %parallel_loop3A_319 = vector.broadcast %parallel_loop3A_318 : i32 to vector<16xi32>
      %parallel_loop3A_320 = tpu.vector_load_idx %arg15[%parallel_loop3A_319, %parallel_loop3A_212] : memref<50x96xf32, #tpu.memory_space<vmem>>[vector<16xi32>, vector<16xi32>], vector<16xf32>,
      %parallel_loop3A_321 = arith.constant 96 : i32
      %parallel_loop3A_322 = arith.index_cast %parallel_loop3A_321 : i32 to index
      %parallel_loop3A_323 = arith.index_cast %parallel_loop3A_73 : i32 to index
      %parallel_loop3A_324 = tpu.vector_load %arg16[%parallel_loop3A_322, %parallel_loop3A_323] {strides = array<i32>} : memref<131x512xf32, #tpu.memory_space<vmem>>, vector<16xf32>,
      tpu.vector_store %arg16[%parallel_loop3A_322, %parallel_loop3A_323], %parallel_loop3A_320 {strides = array<i32>} : memref<131x512xf32, #tpu.memory_space<vmem>>, vector<16xf32>,
      %parallel_loop3A_325 = arith.constant 16 : i32
      %parallel_loop3A_326 = vector.broadcast %parallel_loop3A_325 : i32 to vector<16xi32>
      %parallel_loop3A_327 = tpu.vector_load_idx %arg15[%parallel_loop3A_326, %parallel_loop3A_212] : memref<50x96xf32, #tpu.memory_space<vmem>>[vector<16xi32>, vector<16xi32>], vector<16xf32>,
      %parallel_loop3A_328 = arith.constant 97 : i32
      %parallel_loop3A_329 = arith.index_cast %parallel_loop3A_328 : i32 to index
      %parallel_loop3A_330 = arith.index_cast %parallel_loop3A_73 : i32 to index
      %parallel_loop3A_331 = tpu.vector_load %arg16[%parallel_loop3A_329, %parallel_loop3A_330] {strides = array<i32>} : memref<131x512xf32, #tpu.memory_space<vmem>>, vector<16xf32>,
      tpu.vector_store %arg16[%parallel_loop3A_329, %parallel_loop3A_330], %parallel_loop3A_327 {strides = array<i32>} : memref<131x512xf32, #tpu.memory_space<vmem>>, vector<16xf32>,
      %parallel_loop3A_332 = arith.constant 17 : i32
      %parallel_loop3A_333 = vector.broadcast %parallel_loop3A_332 : i32 to vector<16xi32>
      %parallel_loop3A_334 = tpu.vector_load_idx %arg15[%parallel_loop3A_333, %parallel_loop3A_212] : memref<50x96xf32, #tpu.memory_space<vmem>>[vector<16xi32>, vector<16xi32>], vector<16xf32>,
      %parallel_loop3A_335 = arith.constant 98 : i32
      %parallel_loop3A_336 = arith.index_cast %parallel_loop3A_335 : i32 to index
      %parallel_loop3A_337 = arith.index_cast %parallel_loop3A_73 : i32 to index
      %parallel_loop3A_338 = tpu.vector_load %arg16[%parallel_loop3A_336, %parallel_loop3A_337] {strides = array<i32>} : memref<131x512xf32, #tpu.memory_space<vmem>>, vector<16xf32>,
      tpu.vector_store %arg16[%parallel_loop3A_336, %parallel_loop3A_337], %parallel_loop3A_334 {strides = array<i32>} : memref<131x512xf32, #tpu.memory_space<vmem>>, vector<16xf32>,
      %parallel_loop3A_339 = arith.constant 18 : i32
      %parallel_loop3A_340 = vector.broadcast %parallel_loop3A_339 : i32 to vector<16xi32>
      %parallel_loop3A_341 = tpu.vector_load_idx %arg15[%parallel_loop3A_340, %parallel_loop3A_212] : memref<50x96xf32, #tpu.memory_space<vmem>>[vector<16xi32>, vector<16xi32>], vector<16xf32>,
      %parallel_loop3A_342 = arith.constant 99 : i32
      %parallel_loop3A_343 = arith.index_cast %parallel_loop3A_342 : i32 to index
      %parallel_loop3A_344 = arith.index_cast %parallel_loop3A_73 : i32 to index
      %parallel_loop3A_345 = tpu.vector_load %arg16[%parallel_loop3A_343, %parallel_loop3A_344] {strides = array<i32>} : memref<131x512xf32, #tpu.memory_space<vmem>>, vector<16xf32>,
      tpu.vector_store %arg16[%parallel_loop3A_343, %parallel_loop3A_344], %parallel_loop3A_341 {strides = array<i32>} : memref<131x512xf32, #tpu.memory_space<vmem>>, vector<16xf32>,
      %parallel_loop3A_346 = arith.constant 19 : i32
      %parallel_loop3A_347 = vector.broadcast %parallel_loop3A_346 : i32 to vector<16xi32>
      %parallel_loop3A_348 = tpu.vector_load_idx %arg15[%parallel_loop3A_347, %parallel_loop3A_212] : memref<50x96xf32, #tpu.memory_space<vmem>>[vector<16xi32>, vector<16xi32>], vector<16xf32>,
      %parallel_loop3A_349 = arith.constant 100 : i32
      %parallel_loop3A_350 = arith.index_cast %parallel_loop3A_349 : i32 to index
      %parallel_loop3A_351 = arith.index_cast %parallel_loop3A_73 : i32 to index
      %parallel_loop3A_352 = tpu.vector_load %arg16[%parallel_loop3A_350, %parallel_loop3A_351] {strides = array<i32>} : memref<131x512xf32, #tpu.memory_space<vmem>>, vector<16xf32>,
      tpu.vector_store %arg16[%parallel_loop3A_350, %parallel_loop3A_351], %parallel_loop3A_348 {strides = array<i32>} : memref<131x512xf32, #tpu.memory_space<vmem>>, vector<16xf32>,
      %parallel_loop3A_353 = arith.constant 20 : i32
      %parallel_loop3A_354 = vector.broadcast %parallel_loop3A_353 : i32 to vector<16xi32>
      %parallel_loop3A_355 = tpu.vector_load_idx %arg15[%parallel_loop3A_354, %parallel_loop3A_212] : memref<50x96xf32, #tpu.memory_space<vmem>>[vector<16xi32>, vector<16xi32>], vector<16xf32>,
      %parallel_loop3A_356 = arith.constant 101 : i32
      %parallel_loop3A_357 = arith.index_cast %parallel_loop3A_356 : i32 to index
      %parallel_loop3A_358 = arith.index_cast %parallel_loop3A_73 : i32 to index
      %parallel_loop3A_359 = tpu.vector_load %arg16[%parallel_loop3A_357, %parallel_loop3A_358] {strides = array<i32>} : memref<131x512xf32, #tpu.memory_space<vmem>>, vector<16xf32>,
      tpu.vector_store %arg16[%parallel_loop3A_357, %parallel_loop3A_358], %parallel_loop3A_355 {strides = array<i32>} : memref<131x512xf32, #tpu.memory_space<vmem>>, vector<16xf32>,
      %parallel_loop3A_360 = arith.constant 21 : i32
      %parallel_loop3A_361 = vector.broadcast %parallel_loop3A_360 : i32 to vector<16xi32>
      %parallel_loop3A_362 = tpu.vector_load_idx %arg15[%parallel_loop3A_361, %parallel_loop3A_212] : memref<50x96xf32, #tpu.memory_space<vmem>>[vector<16xi32>, vector<16xi32>], vector<16xf32>,
      %parallel_loop3A_363 = arith.constant 102 : i32
      %parallel_loop3A_364 = arith.index_cast %parallel_loop3A_363 : i32 to index
      %parallel_loop3A_365 = arith.index_cast %parallel_loop3A_73 : i32 to index
      %parallel_loop3A_366 = tpu.vector_load %arg16[%parallel_loop3A_364, %parallel_loop3A_365] {strides = array<i32>} : memref<131x512xf32, #tpu.memory_space<vmem>>, vector<16xf32>,
      tpu.vector_store %arg16[%parallel_loop3A_364, %parallel_loop3A_365], %parallel_loop3A_362 {strides = array<i32>} : memref<131x512xf32, #tpu.memory_space<vmem>>, vector<16xf32>,
      %parallel_loop3A_367 = arith.constant 22 : i32
      %parallel_loop3A_368 = vector.broadcast %parallel_loop3A_367 : i32 to vector<16xi32>
      %parallel_loop3A_369 = tpu.vector_load_idx %arg15[%parallel_loop3A_368, %parallel_loop3A_212] : memref<50x96xf32, #tpu.memory_space<vmem>>[vector<16xi32>, vector<16xi32>], vector<16xf32>,
      %parallel_loop3A_370 = arith.constant 103 : i32
      %parallel_loop3A_371 = arith.index_cast %parallel_loop3A_370 : i32 to index
      %parallel_loop3A_372 = arith.index_cast %parallel_loop3A_73 : i32 to index
      %parallel_loop3A_373 = tpu.vector_load %arg16[%parallel_loop3A_371, %parallel_loop3A_372] {strides = array<i32>} : memref<131x512xf32, #tpu.memory_space<vmem>>, vector<16xf32>,
      tpu.vector_store %arg16[%parallel_loop3A_371, %parallel_loop3A_372], %parallel_loop3A_369 {strides = array<i32>} : memref<131x512xf32, #tpu.memory_space<vmem>>, vector<16xf32>,
      %parallel_loop3A_374 = arith.constant 23 : i32
      %parallel_loop3A_375 = vector.broadcast %parallel_loop3A_374 : i32 to vector<16xi32>
      %parallel_loop3A_376 = tpu.vector_load_idx %arg15[%parallel_loop3A_375, %parallel_loop3A_212] : memref<50x96xf32, #tpu.memory_space<vmem>>[vector<16xi32>, vector<16xi32>], vector<16xf32>,
      %parallel_loop3A_377 = arith.constant 104 : i32
      %parallel_loop3A_378 = arith.index_cast %parallel_loop3A_377 : i32 to index
      %parallel_loop3A_379 = arith.index_cast %parallel_loop3A_73 : i32 to index
      %parallel_loop3A_380 = tpu.vector_load %arg16[%parallel_loop3A_378, %parallel_loop3A_379] {strides = array<i32>} : memref<131x512xf32, #tpu.memory_space<vmem>>, vector<16xf32>,
      tpu.vector_store %arg16[%parallel_loop3A_378, %parallel_loop3A_379], %parallel_loop3A_376 {strides = array<i32>} : memref<131x512xf32, #tpu.memory_space<vmem>>, vector<16xf32>,
      %parallel_loop3A_381 = arith.constant 24 : i32
      %parallel_loop3A_382 = vector.broadcast %parallel_loop3A_381 : i32 to vector<16xi32>
      %parallel_loop3A_383 = tpu.vector_load_idx %arg15[%parallel_loop3A_382, %parallel_loop3A_212] : memref<50x96xf32, #tpu.memory_space<vmem>>[vector<16xi32>, vector<16xi32>], vector<16xf32>,
      %parallel_loop3A_384 = arith.constant 105 : i32
      %parallel_loop3A_385 = arith.index_cast %parallel_loop3A_384 : i32 to index
      %parallel_loop3A_386 = arith.index_cast %parallel_loop3A_73 : i32 to index
      %parallel_loop3A_387 = tpu.vector_load %arg16[%parallel_loop3A_385, %parallel_loop3A_386] {strides = array<i32>} : memref<131x512xf32, #tpu.memory_space<vmem>>, vector<16xf32>,
      tpu.vector_store %arg16[%parallel_loop3A_385, %parallel_loop3A_386], %parallel_loop3A_383 {strides = array<i32>} : memref<131x512xf32, #tpu.memory_space<vmem>>, vector<16xf32>,
      %parallel_loop3A_388 = arith.constant 25 : i32
      %parallel_loop3A_389 = vector.broadcast %parallel_loop3A_388 : i32 to vector<16xi32>
      %parallel_loop3A_390 = tpu.vector_load_idx %arg15[%parallel_loop3A_389, %parallel_loop3A_212] : memref<50x96xf32, #tpu.memory_space<vmem>>[vector<16xi32>, vector<16xi32>], vector<16xf32>,
      %parallel_loop3A_391 = arith.constant 106 : i32
      %parallel_loop3A_392 = arith.index_cast %parallel_loop3A_391 : i32 to index
      %parallel_loop3A_393 = arith.index_cast %parallel_loop3A_73 : i32 to index
      %parallel_loop3A_394 = tpu.vector_load %arg16[%parallel_loop3A_392, %parallel_loop3A_393] {strides = array<i32>} : memref<131x512xf32, #tpu.memory_space<vmem>>, vector<16xf32>,
      tpu.vector_store %arg16[%parallel_loop3A_392, %parallel_loop3A_393], %parallel_loop3A_390 {strides = array<i32>} : memref<131x512xf32, #tpu.memory_space<vmem>>, vector<16xf32>,
      %parallel_loop3A_395 = arith.constant 26 : i32
      %parallel_loop3A_396 = vector.broadcast %parallel_loop3A_395 : i32 to vector<16xi32>
      %parallel_loop3A_397 = tpu.vector_load_idx %arg15[%parallel_loop3A_396, %parallel_loop3A_212] : memref<50x96xf32, #tpu.memory_space<vmem>>[vector<16xi32>, vector<16xi32>], vector<16xf32>,
      %parallel_loop3A_398 = arith.constant 107 : i32
      %parallel_loop3A_399 = arith.index_cast %parallel_loop3A_398 : i32 to index
      %parallel_loop3A_400 = arith.index_cast %parallel_loop3A_73 : i32 to index
      %parallel_loop3A_401 = tpu.vector_load %arg16[%parallel_loop3A_399, %parallel_loop3A_400] {strides = array<i32>} : memref<131x512xf32, #tpu.memory_space<vmem>>, vector<16xf32>,
      tpu.vector_store %arg16[%parallel_loop3A_399, %parallel_loop3A_400], %parallel_loop3A_397 {strides = array<i32>} : memref<131x512xf32, #tpu.memory_space<vmem>>, vector<16xf32>,
      %parallel_loop3A_402 = arith.constant 27 : i32
      %parallel_loop3A_403 = vector.broadcast %parallel_loop3A_402 : i32 to vector<16xi32>
      %parallel_loop3A_404 = tpu.vector_load_idx %arg15[%parallel_loop3A_403, %parallel_loop3A_212] : memref<50x96xf32, #tpu.memory_space<vmem>>[vector<16xi32>, vector<16xi32>], vector<16xf32>,
      %parallel_loop3A_405 = arith.constant 108 : i32
      %parallel_loop3A_406 = arith.index_cast %parallel_loop3A_405 : i32 to index
      %parallel_loop3A_407 = arith.index_cast %parallel_loop3A_73 : i32 to index
      %parallel_loop3A_408 = tpu.vector_load %arg16[%parallel_loop3A_406, %parallel_loop3A_407] {strides = array<i32>} : memref<131x512xf32, #tpu.memory_space<vmem>>, vector<16xf32>,
      tpu.vector_store %arg16[%parallel_loop3A_406, %parallel_loop3A_407], %parallel_loop3A_404 {strides = array<i32>} : memref<131x512xf32, #tpu.memory_space<vmem>>, vector<16xf32>,
      %parallel_loop3A_409 = arith.constant 28 : i32
      %parallel_loop3A_410 = vector.broadcast %parallel_loop3A_409 : i32 to vector<16xi32>
      %parallel_loop3A_411 = tpu.vector_load_idx %arg15[%parallel_loop3A_410, %parallel_loop3A_212] : memref<50x96xf32, #tpu.memory_space<vmem>>[vector<16xi32>, vector<16xi32>], vector<16xf32>,
      %parallel_loop3A_412 = arith.constant 109 : i32
      %parallel_loop3A_413 = arith.index_cast %parallel_loop3A_412 : i32 to index
      %parallel_loop3A_414 = arith.index_cast %parallel_loop3A_73 : i32 to index
      %parallel_loop3A_415 = tpu.vector_load %arg16[%parallel_loop3A_413, %parallel_loop3A_414] {strides = array<i32>} : memref<131x512xf32, #tpu.memory_space<vmem>>, vector<16xf32>,
      tpu.vector_store %arg16[%parallel_loop3A_413, %parallel_loop3A_414], %parallel_loop3A_411 {strides = array<i32>} : memref<131x512xf32, #tpu.memory_space<vmem>>, vector<16xf32>,
      %parallel_loop3A_416 = arith.constant 29 : i32
      %parallel_loop3A_417 = vector.broadcast %parallel_loop3A_416 : i32 to vector<16xi32>
      %parallel_loop3A_418 = tpu.vector_load_idx %arg15[%parallel_loop3A_417, %parallel_loop3A_212] : memref<50x96xf32, #tpu.memory_space<vmem>>[vector<16xi32>, vector<16xi32>], vector<16xf32>,
      %parallel_loop3A_419 = arith.constant 110 : i32
      %parallel_loop3A_420 = arith.index_cast %parallel_loop3A_419 : i32 to index
      %parallel_loop3A_421 = arith.index_cast %parallel_loop3A_73 : i32 to index
      %parallel_loop3A_422 = tpu.vector_load %arg16[%parallel_loop3A_420, %parallel_loop3A_421] {strides = array<i32>} : memref<131x512xf32, #tpu.memory_space<vmem>>, vector<16xf32>,
      tpu.vector_store %arg16[%parallel_loop3A_420, %parallel_loop3A_421], %parallel_loop3A_418 {strides = array<i32>} : memref<131x512xf32, #tpu.memory_space<vmem>>, vector<16xf32>,
      %parallel_loop3A_423 = arith.constant 30 : i32
      %parallel_loop3A_424 = vector.broadcast %parallel_loop3A_423 : i32 to vector<16xi32>
      %parallel_loop3A_425 = tpu.vector_load_idx %arg15[%parallel_loop3A_424, %parallel_loop3A_212] : memref<50x96xf32, #tpu.memory_space<vmem>>[vector<16xi32>, vector<16xi32>], vector<16xf32>,
      %parallel_loop3A_426 = arith.constant 111 : i32
      %parallel_loop3A_427 = arith.index_cast %parallel_loop3A_426 : i32 to index
      %parallel_loop3A_428 = arith.index_cast %parallel_loop3A_73 : i32 to index
      %parallel_loop3A_429 = tpu.vector_load %arg16[%parallel_loop3A_427, %parallel_loop3A_428] {strides = array<i32>} : memref<131x512xf32, #tpu.memory_space<vmem>>, vector<16xf32>,
      tpu.vector_store %arg16[%parallel_loop3A_427, %parallel_loop3A_428], %parallel_loop3A_425 {strides = array<i32>} : memref<131x512xf32, #tpu.memory_space<vmem>>, vector<16xf32>,
      %parallel_loop3A_430 = arith.constant 31 : i32
      %parallel_loop3A_431 = vector.broadcast %parallel_loop3A_430 : i32 to vector<16xi32>
      %parallel_loop3A_432 = tpu.vector_load_idx %arg15[%parallel_loop3A_431, %parallel_loop3A_212] : memref<50x96xf32, #tpu.memory_space<vmem>>[vector<16xi32>, vector<16xi32>], vector<16xf32>,
      %parallel_loop3A_433 = arith.constant 112 : i32
      %parallel_loop3A_434 = arith.index_cast %parallel_loop3A_433 : i32 to index
      %parallel_loop3A_435 = arith.index_cast %parallel_loop3A_73 : i32 to index
      %parallel_loop3A_436 = tpu.vector_load %arg16[%parallel_loop3A_434, %parallel_loop3A_435] {strides = array<i32>} : memref<131x512xf32, #tpu.memory_space<vmem>>, vector<16xf32>,
      tpu.vector_store %arg16[%parallel_loop3A_434, %parallel_loop3A_435], %parallel_loop3A_432 {strides = array<i32>} : memref<131x512xf32, #tpu.memory_space<vmem>>, vector<16xf32>,
      %parallel_loop3A_437 = arith.constant 32 : i32
      %parallel_loop3A_438 = vector.broadcast %parallel_loop3A_437 : i32 to vector<16xi32>
      %parallel_loop3A_439 = tpu.vector_load_idx %arg15[%parallel_loop3A_438, %parallel_loop3A_212] : memref<50x96xf32, #tpu.memory_space<vmem>>[vector<16xi32>, vector<16xi32>], vector<16xf32>,
      %parallel_loop3A_440 = arith.constant 113 : i32
      %parallel_loop3A_441 = arith.index_cast %parallel_loop3A_440 : i32 to index
      %parallel_loop3A_442 = arith.index_cast %parallel_loop3A_73 : i32 to index
      %parallel_loop3A_443 = tpu.vector_load %arg16[%parallel_loop3A_441, %parallel_loop3A_442] {strides = array<i32>} : memref<131x512xf32, #tpu.memory_space<vmem>>, vector<16xf32>,
      tpu.vector_store %arg16[%parallel_loop3A_441, %parallel_loop3A_442], %parallel_loop3A_439 {strides = array<i32>} : memref<131x512xf32, #tpu.memory_space<vmem>>, vector<16xf32>,
      %parallel_loop3A_444 = arith.constant 33 : i32
      %parallel_loop3A_445 = vector.broadcast %parallel_loop3A_444 : i32 to vector<16xi32>
      %parallel_loop3A_446 = tpu.vector_load_idx %arg15[%parallel_loop3A_445, %parallel_loop3A_212] : memref<50x96xf32, #tpu.memory_space<vmem>>[vector<16xi32>, vector<16xi32>], vector<16xf32>,
      %parallel_loop3A_447 = arith.constant 114 : i32
      %parallel_loop3A_448 = arith.index_cast %parallel_loop3A_447 : i32 to index
      %parallel_loop3A_449 = arith.index_cast %parallel_loop3A_73 : i32 to index
      %parallel_loop3A_450 = tpu.vector_load %arg16[%parallel_loop3A_448, %parallel_loop3A_449] {strides = array<i32>} : memref<131x512xf32, #tpu.memory_space<vmem>>, vector<16xf32>,
      tpu.vector_store %arg16[%parallel_loop3A_448, %parallel_loop3A_449], %parallel_loop3A_446 {strides = array<i32>} : memref<131x512xf32, #tpu.memory_space<vmem>>, vector<16xf32>,
      %parallel_loop3A_451 = arith.constant 34 : i32
      %parallel_loop3A_452 = vector.broadcast %parallel_loop3A_451 : i32 to vector<16xi32>
      %parallel_loop3A_453 = tpu.vector_load_idx %arg15[%parallel_loop3A_452, %parallel_loop3A_212] : memref<50x96xf32, #tpu.memory_space<vmem>>[vector<16xi32>, vector<16xi32>], vector<16xf32>,
      %parallel_loop3A_454 = arith.constant 115 : i32
      %parallel_loop3A_455 = arith.index_cast %parallel_loop3A_454 : i32 to index
      %parallel_loop3A_456 = arith.index_cast %parallel_loop3A_73 : i32 to index
      %parallel_loop3A_457 = tpu.vector_load %arg16[%parallel_loop3A_455, %parallel_loop3A_456] {strides = array<i32>} : memref<131x512xf32, #tpu.memory_space<vmem>>, vector<16xf32>,
      tpu.vector_store %arg16[%parallel_loop3A_455, %parallel_loop3A_456], %parallel_loop3A_453 {strides = array<i32>} : memref<131x512xf32, #tpu.memory_space<vmem>>, vector<16xf32>,
      %parallel_loop3A_458 = arith.constant 35 : i32
      %parallel_loop3A_459 = vector.broadcast %parallel_loop3A_458 : i32 to vector<16xi32>
      %parallel_loop3A_460 = tpu.vector_load_idx %arg15[%parallel_loop3A_459, %parallel_loop3A_212] : memref<50x96xf32, #tpu.memory_space<vmem>>[vector<16xi32>, vector<16xi32>], vector<16xf32>,
      %parallel_loop3A_461 = arith.constant 116 : i32
      %parallel_loop3A_462 = arith.index_cast %parallel_loop3A_461 : i32 to index
      %parallel_loop3A_463 = arith.index_cast %parallel_loop3A_73 : i32 to index
      %parallel_loop3A_464 = tpu.vector_load %arg16[%parallel_loop3A_462, %parallel_loop3A_463] {strides = array<i32>} : memref<131x512xf32, #tpu.memory_space<vmem>>, vector<16xf32>,
      tpu.vector_store %arg16[%parallel_loop3A_462, %parallel_loop3A_463], %parallel_loop3A_460 {strides = array<i32>} : memref<131x512xf32, #tpu.memory_space<vmem>>, vector<16xf32>,
      %parallel_loop3A_465 = arith.constant 36 : i32
      %parallel_loop3A_466 = vector.broadcast %parallel_loop3A_465 : i32 to vector<16xi32>
      %parallel_loop3A_467 = tpu.vector_load_idx %arg15[%parallel_loop3A_466, %parallel_loop3A_212] : memref<50x96xf32, #tpu.memory_space<vmem>>[vector<16xi32>, vector<16xi32>], vector<16xf32>,
      %parallel_loop3A_468 = arith.constant 117 : i32
      %parallel_loop3A_469 = arith.index_cast %parallel_loop3A_468 : i32 to index
      %parallel_loop3A_470 = arith.index_cast %parallel_loop3A_73 : i32 to index
      %parallel_loop3A_471 = tpu.vector_load %arg16[%parallel_loop3A_469, %parallel_loop3A_470] {strides = array<i32>} : memref<131x512xf32, #tpu.memory_space<vmem>>, vector<16xf32>,
      tpu.vector_store %arg16[%parallel_loop3A_469, %parallel_loop3A_470], %parallel_loop3A_467 {strides = array<i32>} : memref<131x512xf32, #tpu.memory_space<vmem>>, vector<16xf32>,
      %parallel_loop3A_472 = arith.constant 37 : i32
      %parallel_loop3A_473 = vector.broadcast %parallel_loop3A_472 : i32 to vector<16xi32>
      %parallel_loop3A_474 = tpu.vector_load_idx %arg15[%parallel_loop3A_473, %parallel_loop3A_212] : memref<50x96xf32, #tpu.memory_space<vmem>>[vector<16xi32>, vector<16xi32>], vector<16xf32>,
      %parallel_loop3A_475 = arith.constant 118 : i32
      %parallel_loop3A_476 = arith.index_cast %parallel_loop3A_475 : i32 to index
      %parallel_loop3A_477 = arith.index_cast %parallel_loop3A_73 : i32 to index
      %parallel_loop3A_478 = tpu.vector_load %arg16[%parallel_loop3A_476, %parallel_loop3A_477] {strides = array<i32>} : memref<131x512xf32, #tpu.memory_space<vmem>>, vector<16xf32>,
      tpu.vector_store %arg16[%parallel_loop3A_476, %parallel_loop3A_477], %parallel_loop3A_474 {strides = array<i32>} : memref<131x512xf32, #tpu.memory_space<vmem>>, vector<16xf32>,
      %parallel_loop3A_479 = arith.constant 38 : i32
      %parallel_loop3A_480 = vector.broadcast %parallel_loop3A_479 : i32 to vector<16xi32>
      %parallel_loop3A_481 = tpu.vector_load_idx %arg15[%parallel_loop3A_480, %parallel_loop3A_212] : memref<50x96xf32, #tpu.memory_space<vmem>>[vector<16xi32>, vector<16xi32>], vector<16xf32>,
      %parallel_loop3A_482 = arith.constant 119 : i32
      %parallel_loop3A_483 = arith.index_cast %parallel_loop3A_482 : i32 to index
      %parallel_loop3A_484 = arith.index_cast %parallel_loop3A_73 : i32 to index
      %parallel_loop3A_485 = tpu.vector_load %arg16[%parallel_loop3A_483, %parallel_loop3A_484] {strides = array<i32>} : memref<131x512xf32, #tpu.memory_space<vmem>>, vector<16xf32>,
      tpu.vector_store %arg16[%parallel_loop3A_483, %parallel_loop3A_484], %parallel_loop3A_481 {strides = array<i32>} : memref<131x512xf32, #tpu.memory_space<vmem>>, vector<16xf32>,
      %parallel_loop3A_486 = arith.constant 39 : i32
      %parallel_loop3A_487 = vector.broadcast %parallel_loop3A_486 : i32 to vector<16xi32>
      %parallel_loop3A_488 = tpu.vector_load_idx %arg15[%parallel_loop3A_487, %parallel_loop3A_212] : memref<50x96xf32, #tpu.memory_space<vmem>>[vector<16xi32>, vector<16xi32>], vector<16xf32>,
      %parallel_loop3A_489 = arith.constant 120 : i32
      %parallel_loop3A_490 = arith.index_cast %parallel_loop3A_489 : i32 to index
      %parallel_loop3A_491 = arith.index_cast %parallel_loop3A_73 : i32 to index
      %parallel_loop3A_492 = tpu.vector_load %arg16[%parallel_loop3A_490, %parallel_loop3A_491] {strides = array<i32>} : memref<131x512xf32, #tpu.memory_space<vmem>>, vector<16xf32>,
      tpu.vector_store %arg16[%parallel_loop3A_490, %parallel_loop3A_491], %parallel_loop3A_488 {strides = array<i32>} : memref<131x512xf32, #tpu.memory_space<vmem>>, vector<16xf32>,
      %parallel_loop3A_493 = arith.constant 40 : i32
      %parallel_loop3A_494 = vector.broadcast %parallel_loop3A_493 : i32 to vector<16xi32>
      %parallel_loop3A_495 = tpu.vector_load_idx %arg15[%parallel_loop3A_494, %parallel_loop3A_212] : memref<50x96xf32, #tpu.memory_space<vmem>>[vector<16xi32>, vector<16xi32>], vector<16xf32>,
      %parallel_loop3A_496 = arith.constant 121 : i32
      %parallel_loop3A_497 = arith.index_cast %parallel_loop3A_496 : i32 to index
      %parallel_loop3A_498 = arith.index_cast %parallel_loop3A_73 : i32 to index
      %parallel_loop3A_499 = tpu.vector_load %arg16[%parallel_loop3A_497, %parallel_loop3A_498] {strides = array<i32>} : memref<131x512xf32, #tpu.memory_space<vmem>>, vector<16xf32>,
      tpu.vector_store %arg16[%parallel_loop3A_497, %parallel_loop3A_498], %parallel_loop3A_495 {strides = array<i32>} : memref<131x512xf32, #tpu.memory_space<vmem>>, vector<16xf32>,
      %parallel_loop3A_500 = arith.constant 41 : i32
      %parallel_loop3A_501 = vector.broadcast %parallel_loop3A_500 : i32 to vector<16xi32>
      %parallel_loop3A_502 = tpu.vector_load_idx %arg15[%parallel_loop3A_501, %parallel_loop3A_212] : memref<50x96xf32, #tpu.memory_space<vmem>>[vector<16xi32>, vector<16xi32>], vector<16xf32>,
      %parallel_loop3A_503 = arith.constant 122 : i32
      %parallel_loop3A_504 = arith.index_cast %parallel_loop3A_503 : i32 to index
      %parallel_loop3A_505 = arith.index_cast %parallel_loop3A_73 : i32 to index
      %parallel_loop3A_506 = tpu.vector_load %arg16[%parallel_loop3A_504, %parallel_loop3A_505] {strides = array<i32>} : memref<131x512xf32, #tpu.memory_space<vmem>>, vector<16xf32>,
      tpu.vector_store %arg16[%parallel_loop3A_504, %parallel_loop3A_505], %parallel_loop3A_502 {strides = array<i32>} : memref<131x512xf32, #tpu.memory_space<vmem>>, vector<16xf32>,
      %parallel_loop3A_507 = arith.constant 42 : i32
      %parallel_loop3A_508 = vector.broadcast %parallel_loop3A_507 : i32 to vector<16xi32>
      %parallel_loop3A_509 = tpu.vector_load_idx %arg15[%parallel_loop3A_508, %parallel_loop3A_212] : memref<50x96xf32, #tpu.memory_space<vmem>>[vector<16xi32>, vector<16xi32>], vector<16xf32>,
      %parallel_loop3A_510 = arith.constant 123 : i32
      %parallel_loop3A_511 = arith.index_cast %parallel_loop3A_510 : i32 to index
      %parallel_loop3A_512 = arith.index_cast %parallel_loop3A_73 : i32 to index
      %parallel_loop3A_513 = tpu.vector_load %arg16[%parallel_loop3A_511, %parallel_loop3A_512] {strides = array<i32>} : memref<131x512xf32, #tpu.memory_space<vmem>>, vector<16xf32>,
      tpu.vector_store %arg16[%parallel_loop3A_511, %parallel_loop3A_512], %parallel_loop3A_509 {strides = array<i32>} : memref<131x512xf32, #tpu.memory_space<vmem>>, vector<16xf32>,
      %parallel_loop3A_514 = arith.constant 43 : i32
      %parallel_loop3A_515 = vector.broadcast %parallel_loop3A_514 : i32 to vector<16xi32>
      %parallel_loop3A_516 = tpu.vector_load_idx %arg15[%parallel_loop3A_515, %parallel_loop3A_212] : memref<50x96xf32, #tpu.memory_space<vmem>>[vector<16xi32>, vector<16xi32>], vector<16xf32>,
      %parallel_loop3A_517 = arith.constant 124 : i32
      %parallel_loop3A_518 = arith.index_cast %parallel_loop3A_517 : i32 to index
      %parallel_loop3A_519 = arith.index_cast %parallel_loop3A_73 : i32 to index
      %parallel_loop3A_520 = tpu.vector_load %arg16[%parallel_loop3A_518, %parallel_loop3A_519] {strides = array<i32>} : memref<131x512xf32, #tpu.memory_space<vmem>>, vector<16xf32>,
      tpu.vector_store %arg16[%parallel_loop3A_518, %parallel_loop3A_519], %parallel_loop3A_516 {strides = array<i32>} : memref<131x512xf32, #tpu.memory_space<vmem>>, vector<16xf32>,
      %parallel_loop3A_521 = arith.constant 44 : i32
      %parallel_loop3A_522 = vector.broadcast %parallel_loop3A_521 : i32 to vector<16xi32>
      %parallel_loop3A_523 = tpu.vector_load_idx %arg15[%parallel_loop3A_522, %parallel_loop3A_212] : memref<50x96xf32, #tpu.memory_space<vmem>>[vector<16xi32>, vector<16xi32>], vector<16xf32>,
      %parallel_loop3A_524 = arith.constant 125 : i32
      %parallel_loop3A_525 = arith.index_cast %parallel_loop3A_524 : i32 to index
      %parallel_loop3A_526 = arith.index_cast %parallel_loop3A_73 : i32 to index
      %parallel_loop3A_527 = tpu.vector_load %arg16[%parallel_loop3A_525, %parallel_loop3A_526] {strides = array<i32>} : memref<131x512xf32, #tpu.memory_space<vmem>>, vector<16xf32>,
      tpu.vector_store %arg16[%parallel_loop3A_525, %parallel_loop3A_526], %parallel_loop3A_523 {strides = array<i32>} : memref<131x512xf32, #tpu.memory_space<vmem>>, vector<16xf32>,
      %parallel_loop3A_528 = arith.constant 45 : i32
      %parallel_loop3A_529 = vector.broadcast %parallel_loop3A_528 : i32 to vector<16xi32>
      %parallel_loop3A_530 = tpu.vector_load_idx %arg15[%parallel_loop3A_529, %parallel_loop3A_212] : memref<50x96xf32, #tpu.memory_space<vmem>>[vector<16xi32>, vector<16xi32>], vector<16xf32>,
      %parallel_loop3A_531 = arith.constant 126 : i32
      %parallel_loop3A_532 = arith.index_cast %parallel_loop3A_531 : i32 to index
      %parallel_loop3A_533 = arith.index_cast %parallel_loop3A_73 : i32 to index
      %parallel_loop3A_534 = tpu.vector_load %arg16[%parallel_loop3A_532, %parallel_loop3A_533] {strides = array<i32>} : memref<131x512xf32, #tpu.memory_space<vmem>>, vector<16xf32>,
      tpu.vector_store %arg16[%parallel_loop3A_532, %parallel_loop3A_533], %parallel_loop3A_530 {strides = array<i32>} : memref<131x512xf32, #tpu.memory_space<vmem>>, vector<16xf32>,
      %parallel_loop3A_535 = arith.constant 46 : i32
      %parallel_loop3A_536 = vector.broadcast %parallel_loop3A_535 : i32 to vector<16xi32>
      %parallel_loop3A_537 = tpu.vector_load_idx %arg15[%parallel_loop3A_536, %parallel_loop3A_212] : memref<50x96xf32, #tpu.memory_space<vmem>>[vector<16xi32>, vector<16xi32>], vector<16xf32>,
      %parallel_loop3A_538 = arith.constant 127 : i32
      %parallel_loop3A_539 = arith.index_cast %parallel_loop3A_538 : i32 to index
      %parallel_loop3A_540 = arith.index_cast %parallel_loop3A_73 : i32 to index
      %parallel_loop3A_541 = tpu.vector_load %arg16[%parallel_loop3A_539, %parallel_loop3A_540] {strides = array<i32>} : memref<131x512xf32, #tpu.memory_space<vmem>>, vector<16xf32>,
      tpu.vector_store %arg16[%parallel_loop3A_539, %parallel_loop3A_540], %parallel_loop3A_537 {strides = array<i32>} : memref<131x512xf32, #tpu.memory_space<vmem>>, vector<16xf32>,
      %parallel_loop3A_542 = arith.constant 47 : i32
      %parallel_loop3A_543 = vector.broadcast %parallel_loop3A_542 : i32 to vector<16xi32>
      %parallel_loop3A_544 = tpu.vector_load_idx %arg15[%parallel_loop3A_543, %parallel_loop3A_212] : memref<50x96xf32, #tpu.memory_space<vmem>>[vector<16xi32>, vector<16xi32>], vector<16xf32>,
      %parallel_loop3A_545 = arith.constant 128 : i32
      %parallel_loop3A_546 = arith.index_cast %parallel_loop3A_545 : i32 to index
      %parallel_loop3A_547 = arith.index_cast %parallel_loop3A_73 : i32 to index
      %parallel_loop3A_548 = tpu.vector_load %arg16[%parallel_loop3A_546, %parallel_loop3A_547] {strides = array<i32>} : memref<131x512xf32, #tpu.memory_space<vmem>>, vector<16xf32>,
      tpu.vector_store %arg16[%parallel_loop3A_546, %parallel_loop3A_547], %parallel_loop3A_544 {strides = array<i32>} : memref<131x512xf32, #tpu.memory_space<vmem>>, vector<16xf32>,
      %parallel_loop3A_549 = arith.constant 48 : i32
      %parallel_loop3A_550 = vector.broadcast %parallel_loop3A_549 : i32 to vector<16xi32>
      %parallel_loop3A_551 = tpu.vector_load_idx %arg15[%parallel_loop3A_550, %parallel_loop3A_212] : memref<50x96xf32, #tpu.memory_space<vmem>>[vector<16xi32>, vector<16xi32>], vector<16xf32>,
      %parallel_loop3A_552 = arith.constant 129 : i32
      %parallel_loop3A_553 = arith.index_cast %parallel_loop3A_552 : i32 to index
      %parallel_loop3A_554 = arith.index_cast %parallel_loop3A_73 : i32 to index
      %parallel_loop3A_555 = tpu.vector_load %arg16[%parallel_loop3A_553, %parallel_loop3A_554] {strides = array<i32>} : memref<131x512xf32, #tpu.memory_space<vmem>>, vector<16xf32>,
      tpu.vector_store %arg16[%parallel_loop3A_553, %parallel_loop3A_554], %parallel_loop3A_551 {strides = array<i32>} : memref<131x512xf32, #tpu.memory_space<vmem>>, vector<16xf32>,
      %parallel_loop3A_556 = arith.constant 49 : i32
      %parallel_loop3A_557 = vector.broadcast %parallel_loop3A_556 : i32 to vector<16xi32>
      %parallel_loop3A_558 = tpu.vector_load_idx %arg15[%parallel_loop3A_557, %parallel_loop3A_212] : memref<50x96xf32, #tpu.memory_space<vmem>>[vector<16xi32>, vector<16xi32>], vector<16xf32>,
      %parallel_loop3A_559 = arith.constant 130 : i32
      %parallel_loop3A_560 = arith.index_cast %parallel_loop3A_559 : i32 to index
      %parallel_loop3A_561 = arith.index_cast %parallel_loop3A_73 : i32 to index
      %parallel_loop3A_562 = tpu.vector_load %arg16[%parallel_loop3A_560, %parallel_loop3A_561] {strides = array<i32>} : memref<131x512xf32, #tpu.memory_space<vmem>>, vector<16xf32>,
      tpu.vector_store %arg16[%parallel_loop3A_560, %parallel_loop3A_561], %parallel_loop3A_558 {strides = array<i32>} : memref<131x512xf32, #tpu.memory_space<vmem>>, vector<16xf32>,
    } {sc.loop_unroll_factor = 1 : i64, sc.parallel_access}
    %dma_start3A_43 = arith.constant 64 : i32
    %dma_start3A_44 = arith.constant 0 : i32
    %dma_start3A_45 = tpu.memref_slice %arg16[%dma_start3A_43, %dma_start3A_44] : memref<131x512xf32, #tpu.memory_space<vmem>> -> memref<67x512xf32, #tpu.memory_space<vmem>>
    %dma_start3A_46 = arith.constant 64 : i32
    %dma_start3A_47 = tpu.memref_slice %arg9[%dma_start3A_46, %mul3A_2] : memref<131x16384xf32, #tpu.memory_space<hbm>> -> memref<67x512xf32, #tpu.memory_space<hbm>>
    %dma_start3A_48 = arith.constant 64 : i32
    %dma_start3A_49 = tpu.memref_slice %arg9[%dma_start3A_48, %mul3A_2] : memref<131x16384xf32, #tpu.memory_space<hbm>> -> memref<67x512xf32, #tpu.memory_space<hbm>>
    %dma_start3A_50 = arith.constant 64 : i32
    %dma_start3A_51 = arith.constant 0 : i32
    %dma_start3A_52 = tpu.memref_slice %arg16[%dma_start3A_50, %dma_start3A_51] : memref<131x512xf32, #tpu.memory_space<vmem>> -> memref<67x512xf32, #tpu.memory_space<vmem>>
    tpu.enqueue_dma source(%dma_start3A_52 : memref<67x512xf32, #tpu.memory_space<vmem>>) target(%dma_start3A_49 : memref<67x512xf32, #tpu.memory_space<hbm>>) target_semaphore(%arg19 : memref<!tpu.dma_semaphore, #tpu.memory_space<semaphore_mem>>)
    %dma_wait3A_53 = arith.constant 0 : i32
    %dma_wait3A_54 = arith.constant 0 : i32
    %dma_wait3A_55 = tpu.memref_slice %arg16[%dma_wait3A_53, %dma_wait3A_54] : memref<131x512xf32, #tpu.memory_space<vmem>> -> memref<64x512xf32, #tpu.memory_space<vmem>>
    %dma_wait3A_56 = arith.constant 0 : i32
    %dma_wait3A_57 = tpu.memref_slice %arg9[%dma_wait3A_56, %mul3A_2] : memref<131x16384xf32, #tpu.memory_space<hbm>> -> memref<64x512xf32, #tpu.memory_space<hbm>>
    %dma_wait3A_58 = arith.constant 0 : i32
    %dma_wait3A_59 = tpu.memref_slice %arg9[%dma_wait3A_58, %mul3A_2] : memref<131x16384xf32, #tpu.memory_space<hbm>> -> memref<64x512xf32, #tpu.memory_space<hbm>>
    %dma_wait3A_60 = arith.constant 0 : i32
    %dma_wait3A_61 = arith.constant 0 : i32
    %dma_wait3A_62 = tpu.memref_slice %arg16[%dma_wait3A_60, %dma_wait3A_61] : memref<131x512xf32, #tpu.memory_space<vmem>> -> memref<64x512xf32, #tpu.memory_space<vmem>>
    tpu.wait_dma2 semaphore(%arg18 : memref<!tpu.dma_semaphore, #tpu.memory_space<semaphore_mem>>) src(%dma_wait3A_62 : memref<64x512xf32, #tpu.memory_space<vmem>>) dst(%dma_wait3A_59 : memref<64x512xf32, #tpu.memory_space<hbm>>)
    %dma_wait3A_63 = arith.constant 64 : i32
    %dma_wait3A_64 = arith.constant 0 : i32
    %dma_wait3A_65 = tpu.memref_slice %arg16[%dma_wait3A_63, %dma_wait3A_64] : memref<131x512xf32, #tpu.memory_space<vmem>> -> memref<67x512xf32, #tpu.memory_space<vmem>>
    %dma_wait3A_66 = arith.constant 64 : i32
    %dma_wait3A_67 = tpu.memref_slice %arg9[%dma_wait3A_66, %mul3A_2] : memref<131x16384xf32, #tpu.memory_space<hbm>> -> memref<67x512xf32, #tpu.memory_space<hbm>>
    %dma_wait3A_68 = arith.constant 64 : i32
    %dma_wait3A_69 = tpu.memref_slice %arg9[%dma_wait3A_68, %mul3A_2] : memref<131x16384xf32, #tpu.memory_space<hbm>> -> memref<67x512xf32, #tpu.memory_space<hbm>>
    %dma_wait3A_70 = arith.constant 64 : i32
    %dma_wait3A_71 = arith.constant 0 : i32
    %dma_wait3A_72 = tpu.memref_slice %arg16[%dma_wait3A_70, %dma_wait3A_71] : memref<131x512xf32, #tpu.memory_space<vmem>> -> memref<67x512xf32, #tpu.memory_space<vmem>>
    tpu.wait_dma2 semaphore(%arg19 : memref<!tpu.dma_semaphore, #tpu.memory_space<semaphore_mem>>) src(%dma_wait3A_72 : memref<67x512xf32, #tpu.memory_space<vmem>>) dst(%dma_wait3A_69 : memref<67x512xf32, #tpu.memory_space<hbm>>)
    return
  }
}

</mosaic_0001>

<sc_bundles>
// kernel: kernel.3.cloned.1.call-start
scs
__scs_entry_jumppad:
0x0: {  	(pc) =	sbr.rel $0x88, $3  }
0x1: {  	(tag) =	ssettag $0x0;
	lr =	simm.s32 $0x1  }
0x2: {  	[smem:$0x3F9A] =	sst lr;
	_ =	strace $0xD0000000  }
0x3: {  	_ = 	snop  }
0x4: {  	_ = 	snop  }
0x5: {  	_ = 	snop  }
0x6: {  	_ = 	snop  }
0x7: {  	_ = 	snop  }
__scs_overlays_trampoline_lowered:
0x8: {  	[smem:$0x3FA9] =	sst s0  }
0x9: {  	[smem:$0x3FAA] =	sst s1  }
0xa: {  	[smem:$0x3FAB] =	sst s2  }
0xb: {  	[smem:$0x3FAC] =	sst s3  }
0xc: {  	[smem:$0x3FAD] =	sst s4  }
0xd: {  	[smem:$0x3FAE] =	sst s5  }
0xe: {  	[smem:$0x3FAF] =	sst s6  }
0xf: {  	[smem:$0x3FB0] =	sst s7  }
0x10: {  	[smem:$0x3FB1] =	sst s8  }
0x11: {  	[smem:$0x3FB2] =	sst s9;
	s0 =	simm.s32 @!p0 $0x0  }
0x12: {  	s1 =	sld [smem:$0x3F98];
	s0 =	simm.s32 @p0 $0x1  }
0x13: {  	[smem:$0x3FB3] =	sst s0;
	s0 =	simm.s32 @!p1 $0x0  }
0x14: {  	s2 =	sld [smem:$0x3F97];
	s0 =	simm.s32 @p1 $0x1  }
0x15: {  	[smem:$0x3FB4] =	sst s0;
	s0 =	simm.s32 @!p2 $0x0  }
0x16: {  	s3 =	sld [smem:$0x3FDB];
	s0 =	simm.s32 @p2 $0x1  }
0x17: {  	s4 =	simm.s32 $0x1BF5;
	[smem:$0x3FB6] =	sst s0  }
0x18: {  	s0 =	sld [smem:$0x3F99];
	_ =	swait.ge [sflag:s4], $0x0  }
0x19: {  	s7 =	sld [smem:$0x3F9A]  }
0x1a: {  	s8 =	sadd.s32 $0xFFFFE003, lr  }
0x1b: {  	s9 =	sadd.s32 $0xFFFFFEF7, lr;
	s5 =	simm.s32 $0xFFFFFFFF;
	p2 =	slt.u32 s8, $0xFFFFF086  }
0x1c: {  	p1 =	slt.u32 s9, $0xF7A;
	s5 =	simm.s32 @!p2 $0x0  }
0x1d: {  	s5 =	simm.s32 @p1 $0x1;
	p0 =	seq.s32 s7, s2  }
0x1e: {  	s7 =	smul.u32 @!p0 $0xF7A, s2;
	p2 =	seq.s32 @!p0 s5, $0x0  }
0x1f: {  	s9 =	smul.u32 $0xF7A, s1;
	s8 =	simm.s32 @!p0 $0x1BF5;
	p2 =	por !p2, p0  }
0x20: {  	[sflag:s8] =	ssyncset.s32 @!p0 $0xFFFFF086;
	s6 =	sadd.s32 @!p0 s3, s7;
	s7 =	simm.s32 @!p0 $0x108  }
0x21: {  	s3 =	sadd.s32 s3, s9;
	s6 =	sadd.s32 @!p0 $0x88, s6;
	s7 =	simm.s32 @p2 $0x1082  }
0x22: {  	[simem:s7], [sflag:s8] =	dma.local @!p0 [hbm:s6], $0xF7A  }
0x23: {  	s9 =	sor.u32 $0xD0000000, s2;
	s6 =	simm.s32 $0x108;
	_ =	swait.ge @!p0 [sflag:s8], $0x0  }
0x24: {  	s3 =	sadd.s32 $0x88, s3;
	s6 =	simm.s32 @!p1 $0x1082;
	[sflag:s4] =	ssyncset.s32 $0xFFFFF086  }
0x25: {  	[simem:s6], [sflag:s4] =	dma.local [hbm:s3], $0xF7A  }
0x26: {  	[smem:$0x3F9A] =	sst s1;
	(tag) =	ssettag s2;
	_ =	strace s9  }
0x27: {  	s1 =	sld [smem:$0x3FAA]  }
0x28: {  	s2 =	sld [smem:$0x3FAB]  }
0x29: {  	s4 =	sld [smem:$0x3FAD]  }
0x2a: {  	p0 =	seq.s32 s5, $0x0;
	s5 =	sld [smem:$0x3FAE]  }
0x2b: {  	s6 =	sld [smem:$0x3FAF]  }
0x2c: {  	s7 =	sld [smem:$0x3FB0]  }
0x2d: {  	s3 =	simm.s32 $0x108;
	s8 =	sld [smem:$0x3FB1]  }
0x2e: {  	s3 =	simm.s32 @!p0 $0x1082;
	s9 =	sld [smem:$0x3FB2]  }
0x2f: {  	lr =	sadd.s32 s0, s3;
	s0 =	sld [smem:$0x3FA9]  }
0x30: {  	s3 =	sld [smem:$0x3FAC]  }
0x31: {  	[smem:$0x3FB5] =	sst s10  }
0x32: {  	s10 =	sld [smem:$0x3FB3];
	_ =	sdelay $0x3  }
0x33: {  	p0 =	seq.s32 s10, $0x1;
	s10 =	sld [smem:$0x3FB5];
	_ =	sdelay $0x3  }
0x34: {  	[smem:$0x3FB5] =	sst s10  }
0x35: {  	s10 =	sld [smem:$0x3FB4];
	_ =	sdelay $0x3  }
0x36: {  	p1 =	seq.s32 s10, $0x1;
	s10 =	sld [smem:$0x3FB5];
	_ =	sdelay $0x3  }
0x37: {  	[smem:$0x3FB5] =	sst s10  }
0x38: {  	s10 =	sld [smem:$0x3FB6]  }
0x39: {  	_ = 	snop;
	(pc) =	sbr.ind lr, $3  }
0x3a: {  	_ = 	snop  }
0x3b: {  	_ = 	snop  }
0x3c: {  	p2 =	seq.s32 s10, $0x1;
	s10 =	sld [smem:$0x3FB5]  }
0x3d: {  	_ =	shalt  }
0x3e: {  	_ =	shalt  }
0x3f: {  	_ =	shalt  }
0x40: {  	_ =	shalt  }
0x41: {  	_ =	shalt  }
0x42: {  	_ =	shalt  }
0x43: {  	_ =	shalt  }
0x44: {  	_ =	shalt  }
0x45: {  	_ =	shalt  }
0x46: {  	_ =	shalt  }
0x47: {  	_ =	shalt  }
0x48: {  	_ =	shalt  }
0x49: {  	_ =	shalt  }
0x4a: {  	_ =	shalt  }
0x4b: {  	_ =	shalt  }
0x4c: {  	_ =	shalt  }
0x4d: {  	_ =	shalt  }
0x4e: {  	_ =	shalt  }
0x4f: {  	_ =	shalt  }
0x50: {  	_ =	shalt  }
0x51: {  	_ =	shalt  }
0x52: {  	_ =	shalt  }
0x53: {  	_ =	shalt  }
0x54: {  	_ =	shalt  }
0x55: {  	_ =	shalt  }
0x56: {  	_ =	shalt  }
0x57: {  	_ =	shalt  }
0x58: {  	_ =	shalt  }
0x59: {  	_ =	shalt  }
0x5a: {  	_ =	shalt  }
0x5b: {  	_ =	shalt  }
0x5c: {  	_ =	shalt  }
0x5d: {  	_ =	shalt  }
0x5e: {  	_ =	shalt  }
0x5f: {  	_ =	shalt  }
0x60: {  	_ =	shalt  }
0x61: {  	_ =	shalt  }
0x62: {  	_ =	shalt  }
0x63: {  	_ =	shalt  }
0x64: {  	_ =	shalt  }
0x65: {  	_ =	shalt  }
0x66: {  	_ =	shalt  }
0x67: {  	_ =	shalt  }
0x68: {  	_ =	shalt  }
0x69: {  	_ =	shalt  }
0x6a: {  	_ =	shalt  }
0x6b: {  	_ =	shalt  }
0x6c: {  	_ =	shalt  }
0x6d: {  	_ =	shalt  }
0x6e: {  	_ =	shalt  }
0x6f: {  	_ =	shalt  }
0x70: {  	_ =	shalt  }
0x71: {  	_ =	shalt  }
0x72: {  	_ =	shalt  }
0x73: {  	_ =	shalt  }
0x74: {  	_ =	shalt  }
0x75: {  	_ =	shalt  }
0x76: {  	_ =	shalt  }
0x77: {  	_ =	shalt  }
0x78: {  	_ =	shalt  }
0x79: {  	_ =	shalt  }
0x7a: {  	_ =	shalt  }
0x7b: {  	_ =	shalt  }
0x7c: {  	_ =	shalt  }
0x7d: {  	_ =	shalt  }
0x7e: {  	_ =	shalt  }
0x7f: {  	_ =	shalt  }
0x80: {  	_ =	shalt  }
0x81: {  	_ =	shalt  }
0x82: {  	_ =	shalt  }
0x83: {  	_ =	shalt  }
0x84: {  	_ =	shalt  }
0x85: {  	_ =	shalt  }
0x86: {  	_ =	shalt  }
0x87: {  	_ =	shalt  }
.Lfunc_end0:
.L_simem_size_0:
called_computation_lowered:
.L_overlay_start_0:
0x88: {  	s2 =	sld [smem:$0x3FD9]  }
0x89: {  	s3 =	sld [smem:$0x3FFE];
	_ =	sdelay $0x1  }
0x8a: {  	s1 =	srdreg.scid  }
0x8b: {  	s0 =	sand.u32 $0x1, s1  }
0x8c: {  	s18 =	sshll.u32 s0, $0xA;
	s2 =	sadd.s32 s3, s2  }
0x8d: {  	s2 =	sadd.s32 s2, s18  }
0x8e: {  	[smem:$0x3FC1] =	sst s2  }
0x8f: {  	_ = 	snop  }
0x90: {  	s2 =	sld [smem:$0x3FC9]  }
0x91: {  	s19 =	sld [smem:$0x3FC8]  }
0x92: {  	s4 =	sld [smem:$0x3FC7]  }
0x93: {  	s5 =	sld [smem:$0x3FC6]  }
0x94: {  	s6 =	sld [smem:$0x3FC5]  }
0x95: {  	s7 =	sld [smem:$0x3FC4]  }
0x96: {  	s8 =	sld [smem:$0x3FC3]  }
0x97: {  	s9 =	sld [smem:$0x3FD0];
	(tm) =	ssettm $0x1  }
0x98: {  	s10 =	sld [smem:$0x3FFB];
	_ =	sdelay $0x3  }
0x99: {  	_ =	strace s10  }
0x9a: {  	s10 =	sld [smem:$0x3FFC];
	_ =	sdelay $0x3  }
0x9b: {  	_ =	strace s10  }
0x9c: {  	s10 =	sld [smem:$0x3FFD];
	_ =	sdelay $0x3  }
0x9d: {  	_ =	strace s10  }
0x9e: {  	_ =	strace $0x8FFFFFFF  }
0x9f: {  	s20 =	sld [smem:$0x3FDB];
	_ =	sdelay $0x1  }
0xa0: {  	s11 =	simm.s32 $_scs_section_size  }
0xa1: {  	s12 =	simm.s32 $_size__tile_overlayer_lowered;
	s13 =	simm.s32 $_tile_overlayer_lowered  }
0xa2: {  	s23 =	simm.s32 $0x1BFF;
	s22 =	sshll.u32 s13, $0x1;
	s10 =	sadd.s32 s11, s20  }
0xa3: {  	s14 =	simm.s32 $0x0;
	s21 =	sshll.u32 s12, $0x1;
	s12 =	sadd.s32 s22, s10  }
0xa4: {  	[timem:s14], [sflag:s23] =	dma.local [hbm:s12], s21  }
0xa5: {  	_ =	swait.ge [sflag:s23], s21  }
0xa6: {  	s11 =	ssub.s32 $0x0, s21;
	[sflag:s23] =	ssyncset.done $0x0  }
0xa7: {  	[sflag:s23] =	ssyncadd.s32 s11;
	_ =	sdelay $0x1  }
0xa8: {  	s24 =	simm.s32 $0x1B8B  }
0xa9: {  	_ =	swait.ge [sflag:s24], $0x1  }
0xaa: {  	[sflag:s24] =	ssyncset.done $0x0  }
0xab: {  	s25 =	simm.s32 $0x1B8E;
	[sflag:s24] =	ssyncadd.s32 $0xFFFFFFFF  }
0xac: {  	s26 =	simm.s32 $execute0_lowered;
	[smem:$0x3FD2] =	sst s25  }
0xad: {  	s11 =	sshll.u32 s26, $0x1;
	_ =	strace $0x80000046;
	[dreg:$0x1] =	wrdreg $0xFFFFFFFF  }
0xae: {  	s28 =	simm.s32 $_size_execute0_lowered;
	s10 =	sadd.s32 s10, s11;
	[dreg:$0x0] =	wrdreg $0x0  }
0xaf: {  	s11 =	sshll.u32 s28, $0x1;
	[dreg:$0x2] =	wrdreg s10  }
0xb0: {  	[dreg:$0x3] =	wrdreg s11  }
0xb1: {  	[dreg:$0x4] =	wrdreg $0xC0  }
0xb2: {  	_ =	task [dreg:s14], $0x5FFFF  }
0xb3: {  	[dreg:$0x1] =	wrdreg $0xFFFFFFFF  }
0xb4: {  	[dreg:$0x0] =	wrdreg $0x60  }
0xb5: {  	[dreg:$0x2] =	wrdreg s2  }
0xb6: {  	[dreg:$0x3] =	wrdreg s19  }
0xb7: {  	[dreg:$0x4] =	wrdreg s4  }
0xb8: {  	[dreg:$0x5] =	wrdreg s5  }
0xb9: {  	[dreg:$0x6] =	wrdreg s6  }
0xba: {  	[dreg:$0x7] =	wrdreg s7  }
0xbb: {  	[dreg:$0x8] =	wrdreg s8  }
0xbc: {  	[dreg:$0x9] =	wrdreg s9  }
0xbd: {  	[dreg:$0xa] =	wrdreg $0x9  }
0xbe: {  	_ =	task.clear_ibuf [dreg:s14], $0xBFFFF;
	_ =	strace $0x90000046  }
0xbf: {  	s29 =	simm.s32 $0x9;
	_ =	strace $0x80000048  }
0xc0: {  	_ =	swait.ge [sflag:s29], $0x1  }
0xc1: {  	[sflag:s29] =	ssyncadd.s32 $0xFFFFFFFF  }
0xc2: {  	_ =	strace $0x90000048  }
0xc3: {  	_ =	sfence  }
0xc4: {  	s30 =	sld [smem:$0x0];
	_ =	sdelay $0x2  }
0xc5: {  	s31 =	sshll.u32 s1, $0xD;
	s1 =	sshrl.u32 s1, $0x2  }
0xc6: {  	s3 =	sand.u32 $0x4000, s31;
	s1 =	sadd.s32 s1, s30  }
0xc7: {  	s0 =	sor.u32 s3, s0;
	s1 =	sshll.u32 s1, $0x11  }
0xc8: {  	s0 =	sor.u32 s1, s0  }
0xc9: {  	s0 =	sadd.s32 $0x8F2B, s0  }
0xca: {  	[sflag:s0] =	ssyncadd.remote.s32 $0x1  }
0xcb: {  	_ =	sfence.sel $0xFFFF  }
0xcc: {  	[dreg:$0x0] =	wrdreg $0xFFFFFFFF;
	(pc) =	sbr.abs _section_cstart, $3  }
0xcd: {  	[dreg:$0x1] =	wrdreg $0xFFFFFFFF  }
0xce: {  	_ =	task.clear_ibuf [dreg:s14], $0x2FFFF;
	_ =	strace $0x9FFFFFFF  }
0xcf: {  	(tm) =	ssettm $0x7FFFFFFF  }
tec
execute0_lowered:
.L_overlay_start_1:
0x0: {  	(tag) =	ssettag $0x1  }
0x1: {  	s0 =	rddreg [dreg:$0x0]  }
0x2: {  	s1 =	rddreg [dreg:$0x1]  }
0x3: {  	s3 =	rddreg [dreg:$0x4]  }
0x4: {  	s4 =	rddreg [dreg:$0x5]  }
0x5: {  	s5 =	rddreg [dreg:$0x6]  }
0x6: {  	s6 =	rddreg [dreg:$0x7];
	s7 =	simm.s32 $0x0;
	s8 =	srdreg.scid  }
0x7: {  	s2 =	stileid.u32;
	s13 =	simm.s32 $0x1000;
	s14 =	simm.s32 $0x20000  }
0x8: {  	s15 =	simm.s32 $0x3600;
	s16 =	simm.s32 $0x1200;
	s17 =	simm.s32 $0x1400  }
0x9: {  	s18 =	simm.s32 $0x1800;
	s19 =	simm.s32 $0x1A00;
	s20 =	simm.s32 $0x2  }
0xa: {  	s21 =	simm.s32 $0x1;
	s22 =	simm.s32 $0xB600;
	s23 =	simm.s32 $0x3  }
0xb: {  	s24 =	simm.s32 $0x0;
	[smem:$0x7FF] =	sst s7;
	s8 =	sand.u32 $0x1, s8  }
0xc: {  	s10 =	sshll.u32 s2, $0xA;
	s9 =	ssub.s32 $0x2, s8;
	s8 =	sshll.u32 s8, $0x9  }
0xd: {  	_ =	strace $0x80000047;
	s11 =	sshrl.u32 s9, $0x1;
	s10 =	sor.u32 s8, s10  }
0xe: {  	s12 =	ssub.s32 s9, s11;
	s8 =	sadd.s32 s0, s10;
	s9 =	sadd.s32 s6, s10  }
0xf: {  	s10 =	sadd.s32 s1, s10;
	s11 =	sadd.s32 $0x20000, s9;
	s12 =	smax.u32 s12, $0x1  }
.LBB2_1:
0x10: {  	[tilespmem:s15], [sflag:$0x2] =	stream.strided.gather [hbm4b:s8+s13], $0x8000, s14, s13, $0x38;
	[tilespmem:$0x14600] =	vst v63  }
0x11: {  	_ = 	snop  }
0x12: {  	[tilespmem:s7], [sflag:$0x1] =	stream.linear.gather [hbm4b:s10+s7], $0x1000, $0x38;
	[tilespmem:$0x14600] =	vst v63  }
0x13: {  	s0 =	rddreg [dreg:$0x2]  }
0x14: {  	[tilespmem:s13], [sflag:$0x1] =	stream.linear.gather [hbm4b:s0+s7], $0x180, $0x38;
	[tilespmem:$0x14600] =	vst v63  }
0x15: {  	s1 =	rddreg [dreg:$0x3]  }
0x16: {  	[tilespmem:s16], [sflag:$0x1] =	stream.linear.gather [hbm4b:s1+s7], $0x200, $0x38;
	[tilespmem:$0x14600] =	vst v63  }
0x17: {  	_ = 	snop  }
0x18: {  	[tilespmem:s17], [sflag:$0x1] =	stream.linear.gather [hbm4b:s3+s7], $0x300, $0x38;
	[tilespmem:$0x14600] =	vst v63  }
0x19: {  	_ = 	snop  }
0x1a: {  	[tilespmem:s18], [sflag:$0x1] =	stream.linear.gather [hbm4b:s4+s7], $0x200, $0x38;
	[tilespmem:$0x14600] =	vst v63  }
0x1b: {  	_ = 	snop  }
0x1c: {  	[tilespmem:s19], [sflag:$0x1] =	stream.linear.gather [hbm4b:s5+s7], $0x1900, $0x38;
	[tilespmem:$0x14600] =	vst v63  }
0x1d: {  	_ =	swait.ge [sflag:s20], $0x8000  }
0x1e: {  	[sflag:s20] =	ssyncset.done $0x0  }
0x1f: {  	[sflag:s20] =	ssyncadd.s32 $0xFFFF8000  }
0x20: {  	[hbm4b:s9+s13] =	stream.strided.scatter [tilespmem:s15], [sflag:$0x2], $0x8000, s14, s13, $0x38;
	[tilespmem:$0x14600] =	vst v63  }
0x21: {  	_ =	swait.ge [sflag:s21], $0x1000  }
0x22: {  	[sflag:s21] =	ssyncset.done $0x0  }
0x23: {  	[sflag:s21] =	ssyncadd.s32 $0xFFFFF000  }
0x24: {  	_ =	swait.ge [sflag:s21], $0x180  }
0x25: {  	[sflag:s21] =	ssyncset.done $0x0  }
0x26: {  	[sflag:s21] =	ssyncadd.s32 $0xFFFFFE80  }
0x27: {  	_ =	swait.ge [sflag:s21], $0x200  }
0x28: {  	[sflag:s21] =	ssyncset.done $0x0  }
0x29: {  	[sflag:s21] =	ssyncadd.s32 $0xFFFFFE00  }
0x2a: {  	_ =	swait.ge [sflag:s21], $0x300  }
0x2b: {  	[sflag:s21] =	ssyncset.done $0x0  }
0x2c: {  	[sflag:s21] =	ssyncadd.s32 $0xFFFFFD00  }
0x2d: {  	_ =	swait.ge [sflag:s21], $0x200  }
0x2e: {  	[sflag:s21] =	ssyncset.done $0x0  }
0x2f: {  	[sflag:s21] =	ssyncadd.s32 $0xFFFFFE00  }
0x30: {  	s2 =	simm.s32 $0x0;
	_ =	swait.ge [sflag:s21], $0x1900  }
0x31: {  	s0 =	sand.u32 $0x70, s2;
	s1 =	sand.u32 $0xC00, s7;
	[sflag:s21] =	ssyncset.done $0x0  }
0x32: {  	s25 =	sor.u32 s0, s1;
	[sflag:s21] =	ssyncadd.s32 $0xFFFFE700  }
0x33: {  	v0 =	vld [tilespmem:s25+$0x0];
	_ =	sdelay $0x7  }
0x34: {  	v1 =	vld.idx.msk [tilespmem:v0+s13+$0x0], $0xffff  }
0x35: {  	v2 =	vadd.s32 $0x80, v0;
	_ =	sdelay $0x3  }
0x36: {  	[tilespmem:s25+$0xB600] =	vst v1  }
0x37: {  	v1 =	vld.idx.msk [tilespmem:v2+s13+$0x0], $0xffff  }
0x38: {  	v0 =	vadd.s32 $0x100, v0;
	_ =	sdelay $0x2  }
0x39: {  	v3 =	vld [tilespmem:s25+$0x80]  }
0x3a: {  	[tilespmem:s25+$0xB680] =	vst v1  }
0x3b: {  	v0 =	vld.idx.msk [tilespmem:v0+s13+$0x0], $0xffff;
	_ =	sdelay $0x4  }
0x3c: {  	[tilespmem:s25+$0xB700] =	vst v0  }
0x3d: {  	v0 =	vld.idx.msk [tilespmem:v3+s16+$0x0], $0xffff  }
0x3e: {  	v1 =	vadd.s32 $0x80, v3;
	_ =	sdelay $0x3  }
0x3f: {  	[tilespmem:s25+$0xB780] =	vst v0  }
0x40: {  	v0 =	vld.idx.msk [tilespmem:v1+s16+$0x0], $0xffff  }
0x41: {  	v1 =	vadd.s32 $0x100, v3;
	_ =	sdelay $0x3  }
0x42: {  	[tilespmem:s25+$0xB800] =	vst v0  }
0x43: {  	v0 =	vld.idx.msk [tilespmem:v1+s16+$0x0], $0xffff  }
0x44: {  	v1 =	vadd.s32 $0x180, v3;
	_ =	sdelay $0x2  }
0x45: {  	v2 =	vld [tilespmem:s25+$0x100]  }
0x46: {  	[tilespmem:s25+$0xB880] =	vst v0  }
0x47: {  	v1 =	vld.idx.msk [tilespmem:v1+s16+$0x0], $0xffff;
	_ =	sdelay $0x4  }
0x48: {  	[tilespmem:s25+$0xB900] =	vst v1  }
0x49: {  	v1 =	vld.idx.msk [tilespmem:v2+s17+$0x0], $0xffff  }
0x4a: {  	v3 =	vadd.s32 $0x80, v2;
	_ =	sdelay $0x3  }
0x4b: {  	[tilespmem:s25+$0xB980] =	vst v1  }
0x4c: {  	v1 =	vld.idx.msk [tilespmem:v3+s17+$0x0], $0xffff  }
0x4d: {  	v3 =	vadd.s32 $0x100, v2  }
0x4e: {  	s6 =	simm.s32 $0x10;
	s26 =	simm.s32 $0x80  }
0x4f: {  	s0 =	sand.u32 $0x70, s6;
	s1 =	sand.u32 $0xC00, s26  }
0x50: {  	s26 =	sor.u32 s0, s1  }
0x51: {  	v5 =	vld [tilespmem:s26+$0x0];
	[tilespmem:s25+$0xC600] =	vst v1  }
0x52: {  	v1 =	vld.idx.msk [tilespmem:v3+s17+$0x0], $0xffff  }
0x53: {  	v3 =	vadd.s32 $0x180, v2;
	_ =	sdelay $0x3  }
0x54: {  	[tilespmem:s25+$0xC680] =	vst v1  }
0x55: {  	v1 =	vld.idx.msk [tilespmem:v3+s17+$0x0], $0xffff  }
0x56: {  	v3 =	vadd.s32 $0x200, v2  }
0x57: {  	v6 =	vld.idx.msk [tilespmem:v5+s13+$0x0], $0xffff  }
0x58: {  	v7 =	vadd.s32 $0x80, v5;
	_ =	sdelay $0x1  }
0x59: {  	[tilespmem:s25+$0xC700] =	vst v1  }
0x5a: {  	v1 =	vld.idx.msk [tilespmem:v3+s17+$0x0], $0xffff  }
0x5b: {  	[tilespmem:s26+$0xB600] =	vst v6;
	v2 =	vadd.s32 $0x280, v2  }
0x5c: {  	v3 =	vld.idx.msk [tilespmem:v7+s13+$0x0], $0xffff  }
0x5d: {  	v5 =	vadd.s32 $0x100, v5  }
0x5e: {  	v4 =	vld [tilespmem:s25+$0x180]  }
0x5f: {  	v8 =	vld [tilespmem:s26+$0x80];
	[tilespmem:s25+$0xC780] =	vst v1  }
0x60: {  	v1 =	vld.idx.msk [tilespmem:v2+s17+$0x0], $0xffff  }
0x61: {  	[tilespmem:s26+$0xB680] =	vst v3  }
0x62: {  	v2 =	vld.idx.msk [tilespmem:v5+s13+$0x0], $0xffff;
	_ =	sdelay $0x2  }
0x63: {  	[tilespmem:s25+$0xC800] =	vst v1  }
0x64: {  	v1 =	vld.idx.msk [tilespmem:v4+s18+$0x0], $0xffff  }
0x65: {  	[tilespmem:s26+$0xB700] =	vst v2;
	v2 =	vadd.s32 $0x80, v4  }
0x66: {  	v3 =	vld.idx.msk [tilespmem:v8+s16+$0x0], $0xffff  }
0x67: {  	v5 =	vadd.s32 $0x80, v8;
	_ =	sdelay $0x1  }
0x68: {  	[tilespmem:s25+$0xC880] =	vst v1  }
0x69: {  	v1 =	vld.idx.msk [tilespmem:v2+s18+$0x0], $0xffff  }
0x6a: {  	[tilespmem:s26+$0xB780] =	vst v3;
	v2 =	vadd.s32 $0x100, v4  }
0x6b: {  	v3 =	vld.idx.msk [tilespmem:v5+s16+$0x0], $0xffff  }
0x6c: {  	v5 =	vadd.s32 $0x100, v8;
	_ =	sdelay $0x1  }
0x6d: {  	[tilespmem:s25+$0xC900] =	vst v1  }
0x6e: {  	v1 =	vld.idx.msk [tilespmem:v2+s18+$0x0], $0xffff  }
0x6f: {  	[tilespmem:s26+$0xB800] =	vst v3;
	v2 =	vadd.s32 $0x180, v4  }
0x70: {  	v3 =	vld.idx.msk [tilespmem:v5+s16+$0x0], $0xffff  }
0x71: {  	v4 =	vadd.s32 $0x180, v8  }
0x72: {  	v0 =	vld [tilespmem:s25+$0x200]  }
0x73: {  	v5 =	vld [tilespmem:s26+$0x100];
	[tilespmem:s25+$0xC980] =	vst v1  }
0x74: {  	v2 =	vld.idx.msk [tilespmem:v2+s18+$0x0], $0xffff  }
0x75: {  	[tilespmem:s26+$0xB880] =	vst v3  }
0x76: {  	v3 =	vld.idx.msk [tilespmem:v4+s16+$0x0], $0xffff;
	_ =	sdelay $0x2  }
0x77: {  	[tilespmem:s25+$0xD600] =	vst v2  }
0x78: {  	v2 =	vld.idx.msk [tilespmem:v0+s19+$0x0], $0xffff  }
0x79: {  	[tilespmem:s26+$0xB900] =	vst v3;
	v3 =	vadd.s32 $0x80, v0  }
0x7a: {  	v4 =	vld.idx.msk [tilespmem:v5+s17+$0x0], $0xffff  }
0x7b: {  	v6 =	vadd.s32 $0x80, v5;
	_ =	sdelay $0x1  }
0x7c: {  	[tilespmem:s25+$0xD680] =	vst v2  }
0x7d: {  	v2 =	vld.idx.msk [tilespmem:v3+s19+$0x0], $0xffff  }
0x7e: {  	[tilespmem:s26+$0xB980] =	vst v4;
	v3 =	vadd.s32 $0x100, v0  }
0x7f: {  	v4 =	vld.idx.msk [tilespmem:v6+s17+$0x0], $0xffff  }
0x80: {  	v6 =	vadd.s32 $0x100, v5  }
0x81: {  	s2 =	simm.s32 $0x20;
	s6 =	simm.s32 $0x100  }
0x82: {  	s0 =	sand.u32 $0x70, s2;
	s1 =	sand.u32 $0xC00, s6;
	[tilespmem:s25+$0xD700] =	vst v2  }
0x83: {  	s28 =	sor.u32 s0, s1;
	v2 =	vld.idx.msk [tilespmem:v3+s19+$0x0], $0xffff  }
0x84: {  	[tilespmem:s26+$0xC600] =	vst v4;
	v4 =	vadd.s32 $0x180, v0;
	v3 =	vld [tilespmem:s28+$0x0]  }
0x85: {  	v6 =	vld.idx.msk [tilespmem:v6+s17+$0x0], $0xffff  }
0x86: {  	v8 =	vadd.s32 $0x180, v5;
	_ =	sdelay $0x1  }
0x87: {  	[tilespmem:s25+$0xD780] =	vst v2  }
0x88: {  	v2 =	vld.idx.msk [tilespmem:v4+s19+$0x0], $0xffff  }
0x89: {  	[tilespmem:s26+$0xC680] =	vst v6;
	v4 =	vadd.s32 $0x200, v0  }
0x8a: {  	v6 =	vld.idx.msk [tilespmem:v8+s17+$0x0], $0xffff  }
0x8b: {  	v8 =	vadd.s32 $0x200, v5  }
0x8c: {  	v9 =	vld.idx.msk [tilespmem:v3+s13+$0x0], $0xffff  }
0x8d: {  	v10 =	vadd.s32 $0x80, v3;
	[tilespmem:s25+$0xD800] =	vst v2  }
0x8e: {  	v2 =	vld.idx.msk [tilespmem:v4+s19+$0x0], $0xffff  }
0x8f: {  	[tilespmem:s26+$0xC700] =	vst v6;
	v6 =	vadd.s32 $0x280, v0  }
0x90: {  	v8 =	vld.idx.msk [tilespmem:v8+s17+$0x0], $0xffff  }
0x91: {  	v5 =	vadd.s32 $0x280, v5;
	[tilespmem:s28+$0xB600] =	vst v9  }
0x92: {  	v9 =	vld.idx.msk [tilespmem:v10+s13+$0x0], $0xffff  }
0x93: {  	v7 =	vld [tilespmem:s26+$0x180];
	v3 =	vadd.s32 $0x100, v3;
	[tilespmem:s25+$0xD880] =	vst v2  }
0x94: {  	v2 =	vld.idx.msk [tilespmem:v6+s19+$0x0], $0xffff  }
0x95: {  	v4 =	vld [tilespmem:s28+$0x80];
	[tilespmem:s26+$0xC780] =	vst v8;
	v6 =	vadd.s32 $0x300, v0  }
0x96: {  	v5 =	vld.idx.msk [tilespmem:v5+s17+$0x0], $0xffff  }
0x97: {  	[tilespmem:s28+$0xB680] =	vst v9  }
0x98: {  	v3 =	vld.idx.msk [tilespmem:v3+s13+$0x0], $0xffff  }
0x99: {  	[tilespmem:s25+$0xD900] =	vst v2  }
0x9a: {  	v2 =	vld.idx.msk [tilespmem:v6+s19+$0x0], $0xffff  }
0x9b: {  	[tilespmem:s26+$0xC800] =	vst v5;
	v5 =	vadd.s32 $0x380, v0  }
0x9c: {  	v6 =	vld.idx.msk [tilespmem:v7+s18+$0x0], $0xffff  }
0x9d: {  	[tilespmem:s28+$0xB700] =	vst v3;
	v3 =	vadd.s32 $0x80, v7  }
0x9e: {  	v8 =	vld.idx.msk [tilespmem:v4+s16+$0x0], $0xffff  }
0x9f: {  	v9 =	vadd.s32 $0x80, v4;
	[tilespmem:s25+$0xD980] =	vst v2  }
0xa0: {  	v2 =	vld.idx.msk [tilespmem:v5+s19+$0x0], $0xffff  }
0xa1: {  	[tilespmem:s26+$0xC880] =	vst v6;
	v5 =	vadd.s32 $0x400, v0  }
0xa2: {  	v3 =	vld.idx.msk [tilespmem:v3+s18+$0x0], $0xffff  }
0xa3: {  	v6 =	vadd.s32 $0x100, v7;
	[tilespmem:s28+$0xB780] =	vst v8  }
0xa4: {  	v8 =	vld.idx.msk [tilespmem:v9+s16+$0x0], $0xffff  }
0xa5: {  	v9 =	vadd.s32 $0x100, v4;
	[tilespmem:s25+$0xE600] =	vst v2  }
0xa6: {  	v2 =	vld.idx.msk [tilespmem:v5+s19+$0x0], $0xffff  }
0xa7: {  	[tilespmem:s26+$0xC900] =	vst v3;
	v3 =	vadd.s32 $0x480, v0  }
0xa8: {  	v5 =	vld.idx.msk [tilespmem:v6+s18+$0x0], $0xffff  }
0xa9: {  	v6 =	vadd.s32 $0x180, v7;
	[tilespmem:s28+$0xB800] =	vst v8  }
0xaa: {  	v7 =	vld.idx.msk [tilespmem:v9+s16+$0x0], $0xffff  }
0xab: {  	v1 =	vld [tilespmem:s26+$0x200];
	v4 =	vadd.s32 $0x180, v4;
	[tilespmem:s25+$0xE680] =	vst v2  }
0xac: {  	v2 =	vld.idx.msk [tilespmem:v3+s19+$0x0], $0xffff  }
0xad: {  	[tilespmem:s26+$0xC980] =	vst v5;
	v5 =	vadd.s32 $0x500, v0;
	v3 =	vld [tilespmem:s28+$0x100]  }
0xae: {  	v6 =	vld.idx.msk [tilespmem:v6+s18+$0x0], $0xffff  }
0xaf: {  	[tilespmem:s28+$0xB880] =	vst v7  }
0xb0: {  	v4 =	vld.idx.msk [tilespmem:v4+s16+$0x0], $0xffff  }
0xb1: {  	[tilespmem:s25+$0xE700] =	vst v2  }
0xb2: {  	v5 =	vld.idx.msk [tilespmem:v5+s19+$0x0], $0xffff  }
0xb3: {  	[tilespmem:s26+$0xD600] =	vst v6;
	v6 =	vadd.s32 $0x580, v0  }
0xb4: {  	v7 =	vld.idx.msk [tilespmem:v1+s19+$0x0], $0xffff  }
0xb5: {  	[tilespmem:s28+$0xB900] =	vst v4;
	v4 =	vadd.s32 $0x80, v1  }
0xb6: {  	v8 =	vld.idx.msk [tilespmem:v3+s17+$0x0], $0xffff  }
0xb7: {  	v9 =	vadd.s32 $0x80, v3;
	[tilespmem:s25+$0xE780] =	vst v5  }
0xb8: {  	v5 =	vld.idx.msk [tilespmem:v6+s19+$0x0], $0xffff  }
0xb9: {  	[tilespmem:s26+$0xD680] =	vst v7;
	v7 =	vadd.s32 $0x600, v0  }
0xba: {  	v4 =	vld.idx.msk [tilespmem:v4+s19+$0x0], $0xffff  }
0xbb: {  	[tilespmem:s28+$0xB980] =	vst v8;
	v8 =	vadd.s32 $0x100, v1  }
0xbc: {  	v9 =	vld.idx.msk [tilespmem:v9+s17+$0x0], $0xffff  }
0xbd: {  	v10 =	vadd.s32 $0x100, v3;
	[tilespmem:s25+$0xE800] =	vst v5  }
0xbe: {  	s2 =	simm.s32 $0x30;
	s6 =	simm.s32 $0x180;
	v5 =	vld.idx.msk [tilespmem:v7+s19+$0x0], $0xffff  }
0xbf: {  	s0 =	sand.u32 $0x70, s2;
	s1 =	sand.u32 $0xC00, s6;
	[tilespmem:s26+$0xD700] =	vst v4;
	v4 =	vadd.s32 $0x680, v0  }
0xc0: {  	s29 =	sor.u32 s0, s1;
	v7 =	vld.idx.msk [tilespmem:v8+s19+$0x0], $0xffff  }
0xc1: {  	v8 =	vld [tilespmem:s29+$0x0];
	[tilespmem:s28+$0xC600] =	vst v9;
	v9 =	vadd.s32 $0x180, v1  }
0xc2: {  	v10 =	vld.idx.msk [tilespmem:v10+s17+$0x0], $0xffff  }
0xc3: {  	v11 =	vadd.s32 $0x180, v3;
	[tilespmem:s25+$0xE880] =	vst v5  }
0xc4: {  	v4 =	vld.idx.msk [tilespmem:v4+s19+$0x0], $0xffff  }
0xc5: {  	[tilespmem:s26+$0xD780] =	vst v7;
	v5 =	vadd.s32 $0x700, v0  }
0xc6: {  	v7 =	vld.idx.msk [tilespmem:v9+s19+$0x0], $0xffff  }
0xc7: {  	v9 =	vadd.s32 $0x200, v1;
	[tilespmem:s28+$0xC680] =	vst v10  }
0xc8: {  	v10 =	vld.idx.msk [tilespmem:v11+s17+$0x0], $0xffff  }
0xc9: {  	v12 =	vadd.s32 $0x200, v3;
	v11 =	vld.idx.msk [tilespmem:v8+s13+$0x0], $0xffff;
	[tilespmem:s25+$0xE900] =	vst v4  }
0xca: {  	v4 =	vld.idx.msk [tilespmem:v5+s19+$0x0], $0xffff;
	v5 =	vadd.s32 $0x80, v8  }
0xcb: {  	[tilespmem:s26+$0xD800] =	vst v7;
	v7 =	vadd.s32 $0x780, v0  }
0xcc: {  	v9 =	vld.idx.msk [tilespmem:v9+s19+$0x0], $0xffff  }
0xcd: {  	[tilespmem:s28+$0xC700] =	vst v10;
	v10 =	vadd.s32 $0x280, v1  }
0xce: {  	[tilespmem:s29+$0xB600] =	vst v11;
	v12 =	vld.idx.msk [tilespmem:v12+s17+$0x0], $0xffff  }
0xcf: {  	v3 =	vadd.s32 $0x280, v3;
	v5 =	vld.idx.msk [tilespmem:v5+s13+$0x0], $0xffff;
	[tilespmem:s25+$0xE980] =	vst v4  }
0xd0: {  	v4 =	vld.idx.msk [tilespmem:v7+s19+$0x0], $0xffff;
	v7 =	vadd.s32 $0x100, v8  }
0xd1: {  	v6 =	vld [tilespmem:s28+$0x180];
	[tilespmem:s26+$0xD880] =	vst v9;
	v8 =	vadd.s32 $0x800, v0  }
0xd2: {  	v9 =	vld.idx.msk [tilespmem:v10+s19+$0x0], $0xffff  }
0xd3: {  	v13 =	vld [tilespmem:s29+$0x80];
	v10 =	vadd.s32 $0x300, v1;
	[tilespmem:s28+$0xC780] =	vst v12  }
0xd4: {  	v3 =	vld.idx.msk [tilespmem:v3+s17+$0x0], $0xffff;
	[tilespmem:s29+$0xB680] =	vst v5  }
0xd5: {  	v5 =	vld.idx.msk [tilespmem:v7+s13+$0x0], $0xffff;
	[tilespmem:s25+$0xF600] =	vst v4  }
0xd6: {  	v4 =	vld.idx.msk [tilespmem:v8+s19+$0x0], $0xffff  }
0xd7: {  	[tilespmem:s26+$0xD900] =	vst v9;
	v7 =	vadd.s32 $0x880, v0  }
0xd8: {  	v8 =	vld.idx.msk [tilespmem:v10+s19+$0x0], $0xffff  }
0xd9: {  	[tilespmem:s28+$0xC800] =	vst v3;
	v3 =	vadd.s32 $0x380, v1  }
0xda: {  	v9 =	vld.idx.msk [tilespmem:v6+s18+$0x0], $0xffff;
	[tilespmem:s29+$0xB700] =	vst v5  }
0xdb: {  	v10 =	vadd.s32 $0x80, v6;
	v5 =	vld.idx.msk [tilespmem:v13+s16+$0x0], $0xffff;
	[tilespmem:s25+$0xF680] =	vst v4  }
0xdc: {  	v4 =	vld.idx.msk [tilespmem:v7+s19+$0x0], $0xffff;
	v7 =	vadd.s32 $0x80, v13  }
0xdd: {  	[tilespmem:s26+$0xD980] =	vst v8;
	v8 =	vadd.s32 $0x900, v0  }
0xde: {  	v3 =	vld.idx.msk [tilespmem:v3+s19+$0x0], $0xffff  }
0xdf: {  	[tilespmem:s28+$0xC880] =	vst v9;
	v9 =	vadd.s32 $0x400, v1  }
0xe0: {  	v10 =	vld.idx.msk [tilespmem:v10+s18+$0x0], $0xffff;
	[tilespmem:s29+$0xB780] =	vst v5  }
0xe1: {  	v5 =	vld.idx.msk [tilespmem:v7+s16+$0x0], $0xffff;
	v7 =	vadd.s32 $0x100, v6;
	[tilespmem:s25+$0xF700] =	vst v4  }
0xe2: {  	v4 =	vld.idx.msk [tilespmem:v8+s19+$0x0], $0xffff;
	v8 =	vadd.s32 $0x100, v13  }
0xe3: {  	[tilespmem:s26+$0xE600] =	vst v3;
	v3 =	vadd.s32 $0x980, v0  }
0xe4: {  	v9 =	vld.idx.msk [tilespmem:v9+s19+$0x0], $0xffff  }
0xe5: {  	[tilespmem:s28+$0xC900] =	vst v10;
	v10 =	vadd.s32 $0x480, v1  }
0xe6: {  	v7 =	vld.idx.msk [tilespmem:v7+s18+$0x0], $0xffff;
	[tilespmem:s29+$0xB800] =	vst v5  }
0xe7: {  	v6 =	vadd.s32 $0x180, v6;
	v5 =	vld.idx.msk [tilespmem:v8+s16+$0x0], $0xffff;
	[tilespmem:s25+$0xF780] =	vst v4  }
0xe8: {  	v4 =	vadd.s32 $0x180, v13;
	v3 =	vld.idx.msk [tilespmem:v3+s19+$0x0], $0xffff  }
0xe9: {  	v2 =	vld [tilespmem:s28+$0x200];
	[tilespmem:s26+$0xE680] =	vst v9;
	v8 =	vadd.s32 $0xA00, v0  }
0xea: {  	v9 =	vld.idx.msk [tilespmem:v10+s19+$0x0], $0xffff  }
0xeb: {  	v10 =	vld [tilespmem:s29+$0x100];
	[tilespmem:s28+$0xC980] =	vst v7;
	v7 =	vadd.s32 $0x500, v1  }
0xec: {  	v6 =	vld.idx.msk [tilespmem:v6+s18+$0x0], $0xffff;
	[tilespmem:s29+$0xB880] =	vst v5  }
0xed: {  	v4 =	vld.idx.msk [tilespmem:v4+s16+$0x0], $0xffff;
	[tilespmem:s25+$0xF800] =	vst v3  }
0xee: {  	v5 =	vld.idx.msk [tilespmem:v8+s19+$0x0], $0xffff  }
0xef: {  	[tilespmem:s26+$0xE700] =	vst v9;
	v8 =	vadd.s32 $0xA80, v0  }
0xf0: {  	v7 =	vld.idx.msk [tilespmem:v7+s19+$0x0], $0xffff  }
0xf1: {  	[tilespmem:s28+$0xD600] =	vst v6;
	v6 =	vadd.s32 $0x580, v1  }
0xf2: {  	v9 =	vld.idx.msk [tilespmem:v2+s19+$0x0], $0xffff;
	[tilespmem:s29+$0xB900] =	vst v4  }
0xf3: {  	v11 =	vadd.s32 $0x80, v2;
	v4 =	vld.idx.msk [tilespmem:v10+s17+$0x0], $0xffff;
	[tilespmem:s25+$0xF880] =	vst v5  }
0xf4: {  	v5 =	vld.idx.msk [tilespmem:v8+s19+$0x0], $0xffff;
	v8 =	vadd.s32 $0x80, v10  }
0xf5: {  	[tilespmem:s26+$0xE780] =	vst v7;
	v7 =	vadd.s32 $0xB00, v0  }
0xf6: {  	v6 =	vld.idx.msk [tilespmem:v6+s19+$0x0], $0xffff  }
0xf7: {  	[tilespmem:s28+$0xD680] =	vst v9;
	v9 =	vadd.s32 $0x600, v1  }
0xf8: {  	v11 =	vld.idx.msk [tilespmem:v11+s19+$0x0], $0xffff;
	[tilespmem:s29+$0xB980] =	vst v4  }
0xf9: {  	v4 =	vld.idx.msk [tilespmem:v8+s17+$0x0], $0xffff;
	v8 =	vadd.s32 $0x100, v2;
	[tilespmem:s25+$0xF900] =	vst v5  }
0xfa: {  	s2 =	simm.s32 $0x40;
	s6 =	simm.s32 $0x200;
	v5 =	vld.idx.msk [tilespmem:v7+s19+$0x0], $0xffff;
	v7 =	vadd.s32 $0x100, v10  }
0xfb: {  	s0 =	sand.u32 $0x70, s2;
	s1 =	sand.u32 $0xC00, s6;
	[tilespmem:s26+$0xE800] =	vst v6;
	v6 =	vadd.s32 $0xB80, v0  }
0xfc: {  	s30 =	sor.u32 s0, s1;
	v9 =	vld.idx.msk [tilespmem:v9+s19+$0x0], $0xffff  }
0xfd: {  	v13 =	vld [tilespmem:s30+$0x0];
	[tilespmem:s28+$0xD700] =	vst v11;
	v11 =	vadd.s32 $0x680, v1  }
0xfe: {  	v8 =	vld.idx.msk [tilespmem:v8+s19+$0x0], $0xffff;
	[tilespmem:s29+$0xC600] =	vst v4  }
0xff: {  	v4 =	vld.idx.msk [tilespmem:v7+s17+$0x0], $0xffff;
	v7 =	vadd.s32 $0x180, v2;
	[tilespmem:s25+$0xF980] =	vst v5  }
0x100: {  	v5 =	vld.idx.msk [tilespmem:v6+s19+$0x0], $0xffff;
	v6 =	vadd.s32 $0x180, v10  }
0x101: {  	[tilespmem:s26+$0xE880] =	vst v9;
	v9 =	vadd.s32 $0xC00, v0  }
0x102: {  	v11 =	vld.idx.msk [tilespmem:v11+s19+$0x0], $0xffff  }
0x103: {  	[tilespmem:s28+$0xD780] =	vst v8;
	v8 =	vadd.s32 $0x700, v1  }
0x104: {  	v7 =	vld.idx.msk [tilespmem:v7+s19+$0x0], $0xffff;
	[tilespmem:s29+$0xC680] =	vst v4  }
0x105: {  	v4 =	vld.idx.msk [tilespmem:v6+s17+$0x0], $0xffff;
	v6 =	vadd.s32 $0x200, v2;
	[tilespmem:s25+$0x10600] =	vst v5  }
0x106: {  	v5 =	vld.idx.msk [tilespmem:v9+s19+$0x0], $0xffff;
	v9 =	vadd.s32 $0x200, v10  }
0x107: {  	v14 =	vld.idx.msk [tilespmem:v13+s13+$0x0], $0xffff;
	[tilespmem:s26+$0xE900] =	vst v11;
	v11 =	vadd.s32 $0xC80, v0  }
0x108: {  	v15 =	vadd.s32 $0x80, v13;
	v8 =	vld.idx.msk [tilespmem:v8+s19+$0x0], $0xffff  }
0x109: {  	v16 =	vld [tilespmem:s30+$0x80];
	[tilespmem:s28+$0xD800] =	vst v7;
	v7 =	vadd.s32 $0x780, v1  }
0x10a: {  	v6 =	vld.idx.msk [tilespmem:v6+s19+$0x0], $0xffff;
	[tilespmem:s29+$0xC700] =	vst v4  }
0x10b: {  	v4 =	vld.idx.msk [tilespmem:v9+s17+$0x0], $0xffff;
	v9 =	vadd.s32 $0x280, v2;
	[tilespmem:s25+$0x10680] =	vst v5  }
0x10c: {  	[tilespmem:s30+$0xB600] =	vst v14;
	v10 =	vadd.s32 $0x280, v10;
	v5 =	vld.idx.msk [tilespmem:v11+s19+$0x0], $0xffff  }
0x10d: {  	v11 =	vld.idx.msk [tilespmem:v15+s13+$0x0], $0xffff;
	[tilespmem:s26+$0xE980] =	vst v8;
	v8 =	vadd.s32 $0xD00, v0  }
0x10e: {  	v13 =	vadd.s32 $0x100, v13;
	v7 =	vld.idx.msk [tilespmem:v7+s19+$0x0], $0xffff  }
0x10f: {  	v12 =	vld [tilespmem:s29+$0x180];
	[tilespmem:s28+$0xD880] =	vst v6;
	v6 =	vadd.s32 $0x800, v1  }
0x110: {  	v9 =	vld.idx.msk [tilespmem:v9+s19+$0x0], $0xffff;
	[tilespmem:s29+$0xC780] =	vst v4  }
0x111: {  	v4 =	vld.idx.msk [tilespmem:v10+s17+$0x0], $0xffff;
	v10 =	vadd.s32 $0x300, v2;
	[tilespmem:s25+$0x10700] =	vst v5  }
0x112: {  	[tilespmem:s30+$0xB680] =	vst v11;
	v5 =	vld.idx.msk [tilespmem:v8+s19+$0x0], $0xffff  }
0x113: {  	v8 =	vld.idx.msk [tilespmem:v13+s13+$0x0], $0xffff;
	[tilespmem:s26+$0xF600] =	vst v7;
	v7 =	vadd.s32 $0xD80, v0  }
0x114: {  	v6 =	vld.idx.msk [tilespmem:v6+s19+$0x0], $0xffff  }
0x115: {  	[tilespmem:s28+$0xD900] =	vst v9;
	v9 =	vadd.s32 $0x880, v1  }
0x116: {  	v10 =	vld.idx.msk [tilespmem:v10+s19+$0x0], $0xffff;
	[tilespmem:s29+$0xC800] =	vst v4  }
0x117: {  	v11 =	vadd.s32 $0x380, v2;
	v4 =	vld.idx.msk [tilespmem:v12+s18+$0x0], $0xffff;
	[tilespmem:s25+$0x10780] =	vst v5  }
0x118: {  	[tilespmem:s30+$0xB700] =	vst v8;
	v5 =	vld.idx.msk [tilespmem:v7+s19+$0x0], $0xffff;
	v7 =	vadd.s32 $0x80, v12  }
0x119: {  	v8 =	vld.idx.msk [tilespmem:v16+s16+$0x0], $0xffff;
	[tilespmem:s26+$0xF680] =	vst v6;
	v6 =	vadd.s32 $0xE00, v0  }
0x11a: {  	v13 =	vadd.s32 $0x80, v16;
	v9 =	vld.idx.msk [tilespmem:v9+s19+$0x0], $0xffff  }
0x11b: {  	[tilespmem:s28+$0xD980] =	vst v10;
	v10 =	vadd.s32 $0x900, v1  }
0x11c: {  	v11 =	vld.idx.msk [tilespmem:v11+s19+$0x0], $0xffff;
	[tilespmem:s29+$0xC880] =	vst v4  }
0x11d: {  	v4 =	vld.idx.msk [tilespmem:v7+s18+$0x0], $0xffff;
	v7 =	vadd.s32 $0x400, v2;
	[tilespmem:s25+$0x10800] =	vst v5  }
0x11e: {  	[tilespmem:s30+$0xB780] =	vst v8;
	v5 =	vld.idx.msk [tilespmem:v6+s19+$0x0], $0xffff;
	v6 =	vadd.s32 $0x100, v12  }
0x11f: {  	v8 =	vld.idx.msk [tilespmem:v13+s16+$0x0], $0xffff;
	[tilespmem:s26+$0xF700] =	vst v9;
	v9 =	vadd.s32 $0xE80, v0  }
0x120: {  	v13 =	vadd.s32 $0x100, v16;
	v10 =	vld.idx.msk [tilespmem:v10+s19+$0x0], $0xffff  }
0x121: {  	v3 =	vld [tilespmem:s29+$0x200];
	[tilespmem:s28+$0xE600] =	vst v11;
	v11 =	vadd.s32 $0x980, v1  }
0x122: {  	v7 =	vld.idx.msk [tilespmem:v7+s19+$0x0], $0xffff;
	[tilespmem:s29+$0xC900] =	vst v4  }
0x123: {  	v4 =	vld.idx.msk [tilespmem:v6+s18+$0x0], $0xffff;
	v6 =	vadd.s32 $0x480, v2;
	[tilespmem:s25+$0x10880] =	vst v5  }
0x124: {  	[tilespmem:s30+$0xB800] =	vst v8;
	v8 =	vadd.s32 $0x180, v12;
	v5 =	vld.idx.msk [tilespmem:v9+s19+$0x0], $0xffff  }
0x125: {  	v9 =	vld.idx.msk [tilespmem:v13+s16+$0x0], $0xffff;
	[tilespmem:s26+$0xF780] =	vst v10;
	v10 =	vadd.s32 $0xF00, v0  }
0x126: {  	v12 =	vadd.s32 $0x180, v16;
	v11 =	vld.idx.msk [tilespmem:v11+s19+$0x0], $0xffff  }
0x127: {  	v13 =	vld [tilespmem:s30+$0x100];
	[tilespmem:s28+$0xE680] =	vst v7;
	v7 =	vadd.s32 $0xA00, v1  }
0x128: {  	v6 =	vld.idx.msk [tilespmem:v6+s19+$0x0], $0xffff;
	[tilespmem:s29+$0xC980] =	vst v4  }
0x129: {  	v14 =	vadd.s32 $0x500, v2;
	v8 =	vld.idx.msk [tilespmem:v8+s18+$0x0], $0xffff;
	[tilespmem:s25+$0x10900] =	vst v5  }
0x12a: {  	[tilespmem:s30+$0xB880] =	vst v9;
	v5 =	vld.idx.msk [tilespmem:v10+s19+$0x0], $0xffff  }
0x12b: {  	v9 =	vld.idx.msk [tilespmem:v12+s16+$0x0], $0xffff;
	v10 =	vadd.s32 $0xF80, v0;
	[tilespmem:s26+$0xF800] =	vst v11  }
0x12c: {  	v7 =	vld.idx.msk [tilespmem:v7+s19+$0x0], $0xffff  }
0x12d: {  	[tilespmem:s28+$0xE700] =	vst v6;
	v6 =	vadd.s32 $0xA80, v1  }
0x12e: {  	v11 =	vld.idx.msk [tilespmem:v14+s19+$0x0], $0xffff;
	[tilespmem:s29+$0xD600] =	vst v8  }
0x12f: {  	v12 =	vadd.s32 $0x580, v2;
	v8 =	vld.idx.msk [tilespmem:v3+s19+$0x0], $0xffff;
	[tilespmem:s25+$0x10980] =	vst v5  }
0x130: {  	[tilespmem:s30+$0xB900] =	vst v9;
	v9 =	vld.idx.msk [tilespmem:v10+s19+$0x0], $0xffff;
	v10 =	vadd.s32 $0x80, v3  }
0x131: {  	v14 =	vld.idx.msk [tilespmem:v13+s17+$0x0], $0xffff;
	[tilespmem:s26+$0xF880] =	vst v7;
	v7 =	vadd.s32 $0x1000, v0  }
0x132: {  	v15 =	vadd.s32 $0x80, v13;
	v6 =	vld.idx.msk [tilespmem:v6+s19+$0x0], $0xffff  }
0x133: {  	[tilespmem:s28+$0xE780] =	vst v11;
	v11 =	vadd.s32 $0xB00, v1  }
0x134: {  	v12 =	vld.idx.msk [tilespmem:v12+s19+$0x0], $0xffff;
	[tilespmem:s29+$0xD680] =	vst v8  }
0x135: {  	v8 =	vld.idx.msk [tilespmem:v10+s19+$0x0], $0xffff;
	v10 =	vadd.s32 $0x600, v2;
	[tilespmem:s25+$0x11600] =	vst v9  }
0x136: {  	s6 =	simm.s32 $0x280;
	s0 =	simm.s32 $0x50;
	[tilespmem:s30+$0xB980] =	vst v14;
	v9 =	vadd.s32 $0x100, v3;
	v7 =	vld.idx.msk [tilespmem:v7+s19+$0x0], $0xffff  }
0x137: {  	s31 =	sand.u32 $0xC00, s6;
	s2 =	sand.u32 $0x70, s0;
	v14 =	vld.idx.msk [tilespmem:v15+s17+$0x0], $0xffff;
	[tilespmem:s26+$0xF900] =	vst v6;
	v6 =	vadd.s32 $0x1080, v0  }
0x138: {  	s31 =	sor.u32 s2, s31;
	v15 =	vadd.s32 $0x100, v13;
	v11 =	vld.idx.msk [tilespmem:v11+s19+$0x0], $0xffff  }
0x139: {  	v16 =	vld [tilespmem:s31+$0x0];
	[tilespmem:s28+$0xE800] =	vst v12;
	v12 =	vadd.s32 $0xB80, v1  }
0x13a: {  	v10 =	vld.idx.msk [tilespmem:v10+s19+$0x0], $0xffff;
	[tilespmem:s29+$0xD700] =	vst v8  }
0x13b: {  	v8 =	vld.idx.msk [tilespmem:v9+s19+$0x0], $0xffff;
	v9 =	vadd.s32 $0x680, v2;
	[tilespmem:s25+$0x11680] =	vst v7  }
0x13c: {  	[tilespmem:s30+$0xC600] =	vst v14;
	v7 =	vadd.s32 $0x180, v3;
	v6 =	vld.idx.msk [tilespmem:v6+s19+$0x0], $0xffff  }
0x13d: {  	v14 =	vld.idx.msk [tilespmem:v15+s17+$0x0], $0xffff;
	[tilespmem:s26+$0xF980] =	vst v11;
	v11 =	vadd.s32 $0x1100, v0  }
0x13e: {  	v15 =	vadd.s32 $0x180, v13;
	v12 =	vld.idx.msk [tilespmem:v12+s19+$0x0], $0xffff  }
0x13f: {  	v17 =	vld [tilespmem:s31+$0x80];
	[tilespmem:s28+$0xE880] =	vst v10  }
0x140: {  	v10 =	vadd.s32 $0xC00, v1;
	v9 =	vld.idx.msk [tilespmem:v9+s19+$0x0], $0xffff;
	[tilespmem:s29+$0xD780] =	vst v8  }
0x141: {  	v8 =	vadd.s32 $0x700, v2;
	v7 =	vld.idx.msk [tilespmem:v7+s19+$0x0], $0xffff;
	[tilespmem:s25+$0x11700] =	vst v6  }
0x142: {  	[tilespmem:s30+$0xC680] =	vst v14;
	v6 =	vld.idx.msk [tilespmem:v11+s19+$0x0], $0xffff;
	v11 =	vadd.s32 $0x200, v3  }
0x143: {  	v14 =	vld.idx.msk [tilespmem:v15+s17+$0x0], $0xffff;
	[tilespmem:s26+$0x10600] =	vst v12;
	v12 =	vadd.s32 $0x1180, v0  }
0x144: {  	v18 =	vld.idx.msk [tilespmem:v16+s13+$0x0], $0xffff;
	v15 =	vadd.s32 $0x200, v13  }
0x145: {  	v19 =	vadd.s32 $0x80, v16;
	v10 =	vld.idx.msk [tilespmem:v10+s19+$0x0], $0xffff;
	[tilespmem:s28+$0xE900] =	vst v9  }
0x146: {  	v9 =	vadd.s32 $0xC80, v1;
	v8 =	vld.idx.msk [tilespmem:v8+s19+$0x0], $0xffff;
	[tilespmem:s29+$0xD800] =	vst v7  }
0x147: {  	v7 =	vld.idx.msk [tilespmem:v11+s19+$0x0], $0xffff;
	[tilespmem:s25+$0x11780] =	vst v6  }
0x148: {  	v11 =	vadd.s32 $0x780, v2;
	[tilespmem:s30+$0xC700] =	vst v14;
	v6 =	vld.idx.msk [tilespmem:v12+s19+$0x0], $0xffff  }
0x149: {  	[tilespmem:s31+$0xB600] =	vst v18;
	v12 =	vadd.s32 $0x280, v3;
	v14 =	vld.idx.msk [tilespmem:v15+s17+$0x0], $0xffff  }
0x14a: {  	v15 =	vld.idx.msk [tilespmem:v19+s13+$0x0], $0xffff;
	[tilespmem:s26+$0x10680] =	vst v10;
	v10 =	vadd.s32 $0x1200, v0  }
0x14b: {  	v13 =	vadd.s32 $0x280, v13;
	v9 =	vld.idx.msk [tilespmem:v9+s19+$0x0], $0xffff;
	[tilespmem:s28+$0xE980] =	vst v8  }
0x14c: {  	v16 =	vadd.s32 $0x100, v16;
	v5 =	vld [tilespmem:s30+$0x180];
	[tilespmem:s29+$0xD880] =	vst v7  }
0x14d: {  	v8 =	vadd.s32 $0xD00, v1;
	v11 =	vld.idx.msk [tilespmem:v11+s19+$0x0], $0xffff;
	[tilespmem:s25+$0x11800] =	vst v6  }
0x14e: {  	v7 =	vld.idx.msk [tilespmem:v12+s19+$0x0], $0xffff;
	v12 =	vadd.s32 $0x800, v2;
	[tilespmem:s30+$0xC780] =	vst v14  }
0x14f: {  	[tilespmem:s31+$0xB680] =	vst v15;
	v6 =	vld.idx.msk [tilespmem:v10+s19+$0x0], $0xffff;
	v10 =	vadd.s32 $0x300, v3  }
0x150: {  	v13 =	vld.idx.msk [tilespmem:v13+s17+$0x0], $0xffff;
	[tilespmem:s26+$0x10700] =	vst v9;
	v9 =	vadd.s32 $0x1280, v0  }
0x151: {  	v14 =	vld.idx.msk [tilespmem:v16+s13+$0x0], $0xffff  }
0x152: {  	v8 =	vld.idx.msk [tilespmem:v8+s19+$0x0], $0xffff;
	[tilespmem:s28+$0xF600] =	vst v11  }
0x153: {  	v11 =	vadd.s32 $0xD80, v1;
	v12 =	vld.idx.msk [tilespmem:v12+s19+$0x0], $0xffff;
	[tilespmem:s29+$0xD900] =	vst v7  }
0x154: {  	v7 =	vld.idx.msk [tilespmem:v10+s19+$0x0], $0xffff;
	[tilespmem:s25+$0x11880] =	vst v6  }
0x155: {  	v10 =	vadd.s32 $0x880, v2;
	[tilespmem:s30+$0xC800] =	vst v13;
	v6 =	vld.idx.msk [tilespmem:v9+s19+$0x0], $0xffff  }
0x156: {  	[tilespmem:s31+$0xB700] =	vst v14;
	v9 =	vadd.s32 $0x380, v3;
	v13 =	vld.idx.msk [tilespmem:v5+s18+$0x0], $0xffff  }
0x157: {  	v15 =	vld.idx.msk [tilespmem:v17+s16+$0x0], $0xffff;
	[tilespmem:s26+$0x10780] =	vst v8;
	v8 =	vadd.s32 $0x1300, v0  }
0x158: {  	v14 =	vadd.s32 $0x80, v5;
	v11 =	vld.idx.msk [tilespmem:v11+s19+$0x0], $0xffff;
	[tilespmem:s28+$0xF680] =	vst v12  }
0x159: {  	v4 =	vld [tilespmem:s30+$0x200];
	v16 =	vadd.s32 $0x80, v17;
	[tilespmem:s29+$0xD980] =	vst v7  }
0x15a: {  	v12 =	vadd.s32 $0xE00, v1;
	v10 =	vld.idx.msk [tilespmem:v10+s19+$0x0], $0xffff;
	[tilespmem:s25+$0x11900] =	vst v6  }
0x15b: {  	v7 =	vld.idx.msk [tilespmem:v9+s19+$0x0], $0xffff;
	v9 =	vadd.s32 $0x900, v2;
	[tilespmem:s30+$0xC880] =	vst v13  }
0x15c: {  	[tilespmem:s31+$0xB780] =	vst v15;
	v6 =	vld.idx.msk [tilespmem:v8+s19+$0x0], $0xffff;
	v8 =	vadd.s32 $0x400, v3  }
0x15d: {  	v13 =	vld.idx.msk [tilespmem:v14+s18+$0x0], $0xffff;
	[tilespmem:s26+$0x10800] =	vst v11;
	v11 =	vadd.s32 $0x1380, v0  }
0x15e: {  	v14 =	vadd.s32 $0x100, v5;
	v15 =	vld.idx.msk [tilespmem:v16+s16+$0x0], $0xffff  }
0x15f: {  	v16 =	vadd.s32 $0x100, v17;
	v12 =	vld.idx.msk [tilespmem:v12+s19+$0x0], $0xffff;
	[tilespmem:s28+$0xF700] =	vst v10  }
0x160: {  	v10 =	vadd.s32 $0xE80, v1;
	v9 =	vld.idx.msk [tilespmem:v9+s19+$0x0], $0xffff;
	[tilespmem:s29+$0xE600] =	vst v7  }
0x161: {  	v7 =	vld.idx.msk [tilespmem:v8+s19+$0x0], $0xffff;
	[tilespmem:s25+$0x11980] =	vst v6  }
0x162: {  	v8 =	vadd.s32 $0x980, v2;
	[tilespmem:s30+$0xC900] =	vst v13;
	v6 =	vld.idx.msk [tilespmem:v11+s19+$0x0], $0xffff  }
0x163: {  	v13 =	vadd.s32 $0x480, v3;
	[tilespmem:s31+$0xB800] =	vst v15;
	v11 =	vld.idx.msk [tilespmem:v14+s18+$0x0], $0xffff  }
0x164: {  	v14 =	vadd.s32 $0x1400, v0;
	v15 =	vld.idx.msk [tilespmem:v16+s16+$0x0], $0xffff;
	[tilespmem:s26+$0x10880] =	vst v12  }
0x165: {  	v5 =	vadd.s32 $0x180, v5;
	v12 =	vld.idx.msk [tilespmem:v10+s19+$0x0], $0xffff  }
0x166: {  	v16 =	vadd.s32 $0x180, v17;
	v10 =	vld [tilespmem:s31+$0x100];
	[tilespmem:s28+$0xF780] =	vst v9  }
0x167: {  	v8 =	vld.idx.msk [tilespmem:v8+s19+$0x0], $0xffff;
	[tilespmem:s29+$0xE680] =	vst v7  }
0x168: {  	v9 =	vadd.s32 $0xF00, v1;
	v7 =	vld.idx.msk [tilespmem:v13+s19+$0x0], $0xffff;
	[tilespmem:s25+$0x12600] =	vst v6  }
0x169: {  	v13 =	vadd.s32 $0xA00, v2;
	[tilespmem:s30+$0xC980] =	vst v11;
	v6 =	vld.idx.msk [tilespmem:v14+s19+$0x0], $0xffff  }
0x16a: {  	[tilespmem:s31+$0xB880] =	vst v15;
	v11 =	vld.idx.msk [tilespmem:v5+s18+$0x0], $0xffff;
	v14 =	vadd.s32 $0x500, v3  }
0x16b: {  	v15 =	vld.idx.msk [tilespmem:v16+s16+$0x0], $0xffff;
	[tilespmem:s26+$0x10900] =	vst v12;
	v12 =	vadd.s32 $0x1480, v0  }
0x16c: {  	v5 =	vld [tilespmem:s31+$0x200]  }
0x16d: {  	v9 =	vld.idx.msk [tilespmem:v9+s19+$0x0], $0xffff;
	[tilespmem:s28+$0xF800] =	vst v8  }
0x16e: {  	v8 =	vld.idx.msk [tilespmem:v13+s19+$0x0], $0xffff;
	v13 =	vadd.s32 $0xF80, v1;
	[tilespmem:s29+$0xE700] =	vst v7  }
0x16f: {  	v7 =	vld.idx.msk [tilespmem:v14+s19+$0x0], $0xffff;
	[tilespmem:s25+$0x12680] =	vst v6  }
0x170: {  	v14 =	vadd.s32 $0xA80, v2;
	[tilespmem:s30+$0xD600] =	vst v11;
	v6 =	vld.idx.msk [tilespmem:v12+s19+$0x0], $0xffff  }
0x171: {  	[tilespmem:s31+$0xB900] =	vst v15;
	v11 =	vld.idx.msk [tilespmem:v4+s19+$0x0], $0xffff;
	v12 =	vadd.s32 $0x580, v3  }
0x172: {  	v18 =	vadd.s32 $0x80, v4;
	v15 =	vld.idx.msk [tilespmem:v10+s17+$0x0], $0xffff;
	[tilespmem:s26+$0x10980] =	vst v9  }
0x173: {  	v17 =	vld.idx.msk [tilespmem:v13+s19+$0x0], $0xffff;
	v13 =	vadd.s32 $0x1500, v0;
	[tilespmem:s28+$0xF880] =	vst v8  }
0x174: {  	v8 =	vld [tilespmem:s31+$0x180];
	[tilespmem:s29+$0xE780] =	vst v7;
	v7 =	vadd.s32 $0x1000, v1  }
0x175: {  	v16 =	vadd.s32 $0x80, v10;
	v9 =	vld.idx.msk [tilespmem:v14+s19+$0x0], $0xffff  }
0x176: {  	v12 =	vld.idx.msk [tilespmem:v12+s19+$0x0], $0xffff;
	[tilespmem:s30+$0xD680] =	vst v11;
	v11 =	vadd.s32 $0xB00, v2  }
0x177: {  	[tilespmem:s25+$0x12700] =	vst v6;
	v14 =	vld.idx.msk [tilespmem:v18+s19+$0x0], $0xffff  }
0x178: {  	v6 =	vld.idx.msk [tilespmem:v13+s19+$0x0], $0xffff;
	v13 =	vadd.s32 $0x600, v3;
	[tilespmem:s26+$0x11600] =	vst v17  }
.LBB2_2:
0x179: {  	s0 =	sadd.s32 $0x10, s0;
	[tilespmem:s31+$0xB980] =	vst v15;
	s6 =	sadd.s32 $0x80, s6;
	v7 =	vld.idx.msk [tilespmem:v7+s19+$0x0], $0xffff;
	v15 =	vadd.s32 $0x1580, v0  }
0x17a: {  	v17 =	vadd.s32 $0x100, v4;
	s1 =	sand.u32 $0x70, s0;
	s2 =	sand.u32 $0xC00, s6;
	v16 =	vld.idx.msk [tilespmem:v16+s17+$0x0], $0xffff;
	[tilespmem:s28+$0xF900] =	vst v9  }
0x17b: {  	s1 =	sor.u32 s1, s2;
	v9 =	vld.idx.msk [tilespmem:v11+s19+$0x0], $0xffff;
	v11 =	vadd.s32 $0x1080, v1  }
0x17c: {  	v19 =	vadd.s32 $0x100, v10;
	v18 =	vld [tilespmem:s1+$0x0];
	[tilespmem:s29+$0xE800] =	vst v12  }
0x17d: {  	v12 =	vld.idx.msk [tilespmem:v13+s19+$0x0], $0xffff;
	v13 =	vadd.s32 $0xB80, v2;
	[tilespmem:s25+$0x12780] =	vst v6  }
0x17e: {  	[tilespmem:s30+$0xD700] =	vst v14;
	v14 =	vld.idx.msk [tilespmem:v15+s19+$0x0], $0xffff  }
0x17f: {  	p0 =	slt.u32 s0, $0x1F0;
	v15 =	vld.idx.msk [tilespmem:v17+s19+$0x0], $0xffff;
	v17 =	vadd.s32 $0x680, v3;
	[tilespmem:s26+$0x11680] =	vst v7  }
0x180: {  	[tilespmem:s31+$0xC600] =	vst v16;
	v7 =	vld.idx.msk [tilespmem:v11+s19+$0x0], $0xffff;
	v11 =	vadd.s32 $0x1600, v0  }
0x181: {  	v16 =	vld.idx.msk [tilespmem:v19+s17+$0x0], $0xffff;
	v19 =	vadd.s32 $0x180, v4;
	[tilespmem:s28+$0xF980] =	vst v9  }
0x182: {  	v9 =	vld.idx.msk [tilespmem:v13+s19+$0x0], $0xffff;
	v13 =	vadd.s32 $0x1100, v1  }
0x183: {  	v20 =	vadd.s32 $0x180, v10;
	v6 =	vld [tilespmem:s1+$0x80];
	[tilespmem:s29+$0xE880] =	vst v12  }
0x184: {  	v12 =	vld.idx.msk [tilespmem:v17+s19+$0x0], $0xffff;
	v17 =	vadd.s32 $0xC00, v2;
	[tilespmem:s25+$0x12800] =	vst v14  }
0x185: {  	[tilespmem:s30+$0xD780] =	vst v15;
	v11 =	vld.idx.msk [tilespmem:v11+s19+$0x0], $0xffff  }
0x186: {  	v15 =	vadd.s32 $0x700, v3;
	v14 =	vld.idx.msk [tilespmem:v19+s19+$0x0], $0xffff;
	[tilespmem:s26+$0x11700] =	vst v7  }
0x187: {  	[tilespmem:s31+$0xC680] =	vst v16;
	v7 =	vld.idx.msk [tilespmem:v13+s19+$0x0], $0xffff;
	v13 =	vadd.s32 $0x1680, v0  }
0x188: {  	v19 =	vadd.s32 $0x200, v4;
	v16 =	vld.idx.msk [tilespmem:v20+s17+$0x0], $0xffff;
	[tilespmem:s28+$0x10600] =	vst v9  }
0x189: {  	v9 =	vld.idx.msk [tilespmem:v17+s19+$0x0], $0xffff;
	v17 =	vadd.s32 $0x1180, v1  }
0x18a: {  	v21 =	vadd.s32 $0x200, v10;
	v20 =	vld.idx.msk [tilespmem:v18+s13+$0x0], $0xffff;
	[tilespmem:s29+$0xE900] =	vst v12  }
0x18b: {  	v12 =	vld.idx.msk [tilespmem:v15+s19+$0x0], $0xffff;
	v15 =	vadd.s32 $0xC80, v2;
	[tilespmem:s25+$0x12880] =	vst v11  }
0x18c: {  	v11 =	vadd.s32 $0x80, v18;
	[tilespmem:s30+$0xD800] =	vst v14;
	v13 =	vld.idx.msk [tilespmem:v13+s19+$0x0], $0xffff  }
0x18d: {  	v14 =	vld.idx.msk [tilespmem:v19+s19+$0x0], $0xffff;
	v19 =	vadd.s32 $0x780, v3;
	[tilespmem:s26+$0x11780] =	vst v7  }
0x18e: {  	[tilespmem:s31+$0xC700] =	vst v16;
	v7 =	vld.idx.msk [tilespmem:v17+s19+$0x0], $0xffff;
	v16 =	vadd.s32 $0x1700, v0  }
0x18f: {  	v17 =	vld.idx.msk [tilespmem:v21+s17+$0x0], $0xffff;
	v21 =	vadd.s32 $0x280, v4;
	[tilespmem:s28+$0x10680] =	vst v9  }
0x190: {  	[tilespmem:s1+$0xB600] =	vst v20;
	v9 =	vld.idx.msk [tilespmem:v15+s19+$0x0], $0xffff;
	v15 =	vadd.s32 $0x1200, v1  }
0x191: {  	v10 =	vadd.s32 $0x280, v10;
	v11 =	vld.idx.msk [tilespmem:v11+s13+$0x0], $0xffff;
	[tilespmem:s29+$0xE980] =	vst v12  }
0x192: {  	v12 =	vld.idx.msk [tilespmem:v19+s19+$0x0], $0xffff;
	v19 =	vadd.s32 $0xD00, v2;
	[tilespmem:s25+$0x12900] =	vst v13  }
0x193: {  	v13 =	vadd.s32 $0x100, v18;
	[tilespmem:s30+$0xD880] =	vst v14;
	v14 =	vld.idx.msk [tilespmem:v16+s19+$0x0], $0xffff  }
0x194: {  	v18 =	vadd.s32 $0x800, v3;
	v16 =	vld.idx.msk [tilespmem:v21+s19+$0x0], $0xffff;
	[tilespmem:s26+$0x11800] =	vst v7  }
0x195: {  	[tilespmem:s31+$0xC780] =	vst v17;
	v7 =	vld.idx.msk [tilespmem:v15+s19+$0x0], $0xffff;
	v15 =	vadd.s32 $0x1780, v0  }
0x196: {  	v17 =	vadd.s32 $0x300, v4;
	v10 =	vld.idx.msk [tilespmem:v10+s17+$0x0], $0xffff;
	[tilespmem:s28+$0x10700] =	vst v9  }
0x197: {  	[tilespmem:s1+$0xB680] =	vst v11;
	v9 =	vld.idx.msk [tilespmem:v19+s19+$0x0], $0xffff;
	v11 =	vadd.s32 $0x1280, v1  }
0x198: {  	v13 =	vld.idx.msk [tilespmem:v13+s13+$0x0], $0xffff;
	[tilespmem:s29+$0xF600] =	vst v12  }
0x199: {  	v12 =	vld.idx.msk [tilespmem:v18+s19+$0x0], $0xffff;
	v18 =	vadd.s32 $0xD80, v2;
	[tilespmem:s25+$0x12980] =	vst v14  }
0x19a: {  	[tilespmem:s30+$0xD900] =	vst v16;
	v14 =	vld.idx.msk [tilespmem:v15+s19+$0x0], $0xffff  }
0x19b: {  	v16 =	vadd.s32 $0x880, v3;
	v15 =	vld.idx.msk [tilespmem:v17+s19+$0x0], $0xffff;
	[tilespmem:s26+$0x11880] =	vst v7  }
0x19c: {  	[tilespmem:s31+$0xC800] =	vst v10;
	v7 =	vld.idx.msk [tilespmem:v11+s19+$0x0], $0xffff;
	v10 =	vadd.s32 $0x1800, v0  }
0x19d: {  	v17 =	vadd.s32 $0x380, v4;
	v11 =	vld.idx.msk [tilespmem:v8+s18+$0x0], $0xffff;
	[tilespmem:s28+$0x10780] =	vst v9  }
0x19e: {  	[tilespmem:s1+$0xB700] =	vst v13;
	v9 =	vld.idx.msk [tilespmem:v18+s19+$0x0], $0xffff;
	v13 =	vadd.s32 $0x1300, v1  }
0x19f: {  	v19 =	vadd.s32 $0x80, v8;
	v18 =	vld.idx.msk [tilespmem:v6+s16+$0x0], $0xffff;
	[tilespmem:s29+$0xF680] =	vst v12  }
0x1a0: {  	v12 =	vld.idx.msk [tilespmem:v16+s19+$0x0], $0xffff;
	v16 =	vadd.s32 $0xE00, v2;
	[tilespmem:s25+$0x13600] =	vst v14  }
0x1a1: {  	v14 =	vadd.s32 $0x80, v6;
	[tilespmem:s30+$0xD980] =	vst v15;
	v10 =	vld.idx.msk [tilespmem:v10+s19+$0x0], $0xffff  }
0x1a2: {  	v15 =	vld.idx.msk [tilespmem:v17+s19+$0x0], $0xffff;
	v17 =	vadd.s32 $0x900, v3;
	[tilespmem:s26+$0x11900] =	vst v7  }
0x1a3: {  	[tilespmem:s31+$0xC880] =	vst v11;
	v7 =	vld.idx.msk [tilespmem:v13+s19+$0x0], $0xffff;
	v11 =	vadd.s32 $0x1880, v0;
	v0 =	vmovc v1;
	v1 =	vmovc v2;
	v2 =	vmov v3;
	v3 =	vmov v4  }
0x1a4: {  	v4 =	vmov v5;
	v13 =	vld.idx.msk [tilespmem:v19+s18+$0x0], $0xffff;
	v19 =	vadd.s32 $0x400, v3;
	[tilespmem:s28+$0x10800] =	vst v9  }
0x1a5: {  	v9 =	vadd.s32 $0x1380, v0;
	[tilespmem:s1+$0xB780] =	vst v18;
	v5 =	vld.idx.msk [tilespmem:v16+s19+$0x0], $0xffff  }
0x1a6: {  	v16 =	vadd.s32 $0x100, v8;
	v14 =	vld.idx.msk [tilespmem:v14+s16+$0x0], $0xffff;
	[tilespmem:s29+$0xF700] =	vst v12  }
0x1a7: {  	v12 =	vld.idx.msk [tilespmem:v17+s19+$0x0], $0xffff;
	v17 =	vadd.s32 $0xE80, v1;
	[tilespmem:s25+$0x13680] =	vst v10  }
0x1a8: {  	v10 =	vadd.s32 $0x100, v6;
	[tilespmem:s30+$0xE600] =	vst v15;
	v11 =	vld.idx.msk [tilespmem:v11+s19+$0x0], $0xffff  }
0x1a9: {  	v18 =	vadd.s32 $0x980, v2;
	v15 =	vld.idx.msk [tilespmem:v19+s19+$0x0], $0xffff;
	[tilespmem:s26+$0x11980] =	vst v7  }
0x1aa: {  	[tilespmem:s31+$0xC900] =	vst v13;
	v7 =	vld.idx.msk [tilespmem:v9+s19+$0x0], $0xffff  }
0x1ab: {  	v13 =	vadd.s32 $0x480, v3;
	v9 =	vld.idx.msk [tilespmem:v16+s18+$0x0], $0xffff;
	[tilespmem:s28+$0x10880] =	vst v5  }
0x1ac: {  	[tilespmem:s1+$0xB800] =	vst v14;
	v5 =	vld.idx.msk [tilespmem:v17+s19+$0x0], $0xffff;
	v14 =	vadd.s32 $0x1400, v0  }
0x1ad: {  	v8 =	vadd.s32 $0x180, v8;
	v16 =	vld.idx.msk [tilespmem:v10+s16+$0x0], $0xffff;
	[tilespmem:s29+$0xF780] =	vst v12  }
0x1ae: {  	v17 =	vadd.s32 $0xF00, v1;
	v12 =	vld.idx.msk [tilespmem:v18+s19+$0x0], $0xffff;
	[tilespmem:s25+$0x13700] =	vst v11;
	s25 =	smov.u32 s26;
	s26 =	smov.u32 s28;
	s28 =	smov.u32 s29  }
0x1af: {  	v6 =	vadd.s32 $0x180, v6;
	s29 =	smov.u32 s30;
	v10 =	vld [tilespmem:s1+$0x100];
	[tilespmem:s30+$0xE680] =	vst v15;
	s30 =	smov.u32 s31;
	s31 =	smov.u32 s1  }
0x1b0: {  	v11 =	vld.idx.msk [tilespmem:v13+s19+$0x0], $0xffff;
	v13 =	vadd.s32 $0xA00, v2;
	[tilespmem:s25+$0x12600] =	vst v7  }
0x1b1: {  	[tilespmem:s30+$0xC980] =	vst v9;
	v7 =	vld.idx.msk [tilespmem:v14+s19+$0x0], $0xffff  }
0x1b2: {  	v9 =	vadd.s32 $0x500, v3;
	v8 =	vld.idx.msk [tilespmem:v8+s18+$0x0], $0xffff;
	[tilespmem:s26+$0x10900] =	vst v5  }
0x1b3: {  	v15 =	vadd.s32 $0x1480, v0;
	[tilespmem:s31+$0xB880] =	vst v16;
	v14 =	vld.idx.msk [tilespmem:v17+s19+$0x0], $0xffff  }
0x1b4: {  	v6 =	vld.idx.msk [tilespmem:v6+s16+$0x0], $0xffff;
	[tilespmem:s28+$0xF800] =	vst v12  }
0x1b5: {  	v12 =	vld.idx.msk [tilespmem:v13+s19+$0x0], $0xffff;
	v13 =	vadd.s32 $0xF80, v1  }
0x1b6: {  	v5 =	vld [tilespmem:s31+$0x200];
	[tilespmem:s29+$0xE700] =	vst v11  }
0x1b7: {  	v11 =	vld.idx.msk [tilespmem:v9+s19+$0x0], $0xffff;
	v9 =	vadd.s32 $0xA80, v2;
	[tilespmem:s25+$0x12680] =	vst v7  }
0x1b8: {  	[tilespmem:s30+$0xD600] =	vst v8;
	v17 =	vld.idx.msk [tilespmem:v15+s19+$0x0], $0xffff  }
0x1b9: {  	v19 =	vadd.s32 $0x580, v3;
	v18 =	vld.idx.msk [tilespmem:v4+s19+$0x0], $0xffff;
	[tilespmem:s26+$0x10980] =	vst v14  }
0x1ba: {  	[tilespmem:s31+$0xB900] =	vst v6;
	v20 =	vld.idx.msk [tilespmem:v13+s19+$0x0], $0xffff;
	v6 =	vadd.s32 $0x1500, v0  }
0x1bb: {  	v13 =	vadd.s32 $0x80, v4;
	v15 =	vld.idx.msk [tilespmem:v10+s17+$0x0], $0xffff;
	[tilespmem:s28+$0xF880] =	vst v12  }
.Ltmp0:
0x1bc: {  	v7 =	vadd.s32 $0x1000, v1;
	v9 =	vld.idx.msk [tilespmem:v9+s19+$0x0], $0xffff;
	(pc) =	sbr.rel @p0 .LBB2_2-.Ltmp0, $4  }
0x1bd: {  	v16 =	vadd.s32 $0x80, v10;
	v8 =	vld [tilespmem:s31+$0x180];
	[tilespmem:s29+$0xE780] =	vst v11  }
0x1be: {  	v11 =	vadd.s32 $0xB00, v2;
	v12 =	vld.idx.msk [tilespmem:v19+s19+$0x0], $0xffff;
	[tilespmem:s25+$0x12700] =	vst v17  }
0x1bf: {  	[tilespmem:s30+$0xD680] =	vst v18;
	v6 =	vld.idx.msk [tilespmem:v6+s19+$0x0], $0xffff  }
0x1c0: {  	v14 =	vld.idx.msk [tilespmem:v13+s19+$0x0], $0xffff;
	v13 =	vadd.s32 $0x600, v3;
	[tilespmem:s26+$0x11600] =	vst v20  }
0x1c1: {  	_ =	sdelay $0x2  }
0x1c2: {  	[tilespmem:s31+$0xB980] =	vst v15  }
0x1c3: {  	v15 =	vld.idx.msk [tilespmem:v16+s17+$0x0], $0xffff  }
0x1c4: {  	v47 =	vadd.s32 $0x100, v10;
	_ =	sdelay $0x3  }
0x1c5: {  	[tilespmem:s31+$0xC600] =	vst v15  }
0x1c6: {  	v15 =	vld.idx.msk [tilespmem:v47+s17+$0x0], $0xffff  }
0x1c7: {  	v48 =	vadd.s32 $0x180, v10;
	_ =	sdelay $0x3  }
0x1c8: {  	[tilespmem:s31+$0xC680] =	vst v15  }
0x1c9: {  	v15 =	vld.idx.msk [tilespmem:v48+s17+$0x0], $0xffff  }
0x1ca: {  	v49 =	vadd.s32 $0x200, v10;
	_ =	sdelay $0x3  }
0x1cb: {  	[tilespmem:s31+$0xC700] =	vst v15  }
0x1cc: {  	v15 =	vld.idx.msk [tilespmem:v49+s17+$0x0], $0xffff  }
0x1cd: {  	v50 =	vadd.s32 $0x280, v10;
	_ =	sdelay $0x3  }
0x1ce: {  	[tilespmem:s31+$0xC780] =	vst v15  }
0x1cf: {  	v10 =	vld.idx.msk [tilespmem:v50+s17+$0x0], $0xffff;
	_ =	sdelay $0x4  }
0x1d0: {  	[tilespmem:s31+$0xC800] =	vst v10  }
0x1d1: {  	v10 =	vld.idx.msk [tilespmem:v8+s18+$0x0], $0xffff  }
0x1d2: {  	v51 =	vadd.s32 $0x80, v8;
	_ =	sdelay $0x3  }
0x1d3: {  	[tilespmem:s31+$0xC880] =	vst v10  }
0x1d4: {  	v10 =	vld.idx.msk [tilespmem:v51+s18+$0x0], $0xffff  }
0x1d5: {  	v52 =	vadd.s32 $0x100, v8;
	_ =	sdelay $0x3  }
0x1d6: {  	[tilespmem:s31+$0xC900] =	vst v10  }
0x1d7: {  	v10 =	vld.idx.msk [tilespmem:v52+s18+$0x0], $0xffff  }
0x1d8: {  	v53 =	vadd.s32 $0x180, v8;
	_ =	sdelay $0x3  }
0x1d9: {  	[tilespmem:s31+$0xC980] =	vst v10  }
0x1da: {  	v8 =	vld.idx.msk [tilespmem:v53+s18+$0x0], $0xffff;
	_ =	sdelay $0x4  }
0x1db: {  	[tilespmem:s31+$0xD600] =	vst v8  }
0x1dc: {  	v8 =	vld.idx.msk [tilespmem:v5+s19+$0x0], $0xffff  }
0x1dd: {  	v54 =	vadd.s32 $0x80, v5;
	_ =	sdelay $0x3  }
0x1de: {  	[tilespmem:s31+$0xD680] =	vst v8  }
0x1df: {  	v55 =	vadd.s32 $0x100, v4;
	v10 =	vld.idx.msk [tilespmem:v54+s19+$0x0], $0xffff  }
0x1e0: {  	v56 =	vadd.s32 $0x100, v5;
	_ =	sdelay $0x2  }
0x1e1: {  	[tilespmem:s30+$0xD700] =	vst v14  }
0x1e2: {  	v8 =	vld.idx.msk [tilespmem:v55+s19+$0x0], $0xffff;
	[tilespmem:s31+$0xD700] =	vst v10  }
0x1e3: {  	v57 =	vadd.s32 $0x180, v4;
	v58 =	vld.idx.msk [tilespmem:v56+s19+$0x0], $0xffff  }
0x1e4: {  	v59 =	vadd.s32 $0x180, v5;
	_ =	sdelay $0x2  }
0x1e5: {  	[tilespmem:s30+$0xD780] =	vst v8  }
0x1e6: {  	v8 =	vld.idx.msk [tilespmem:v57+s19+$0x0], $0xffff;
	[tilespmem:s31+$0xD780] =	vst v58  }
0x1e7: {  	v60 =	vadd.s32 $0x200, v4;
	v14 =	vld.idx.msk [tilespmem:v59+s19+$0x0], $0xffff  }
0x1e8: {  	v61 =	vadd.s32 $0x200, v5;
	_ =	sdelay $0x2  }
0x1e9: {  	[tilespmem:s30+$0xD800] =	vst v8  }
0x1ea: {  	v8 =	vld.idx.msk [tilespmem:v60+s19+$0x0], $0xffff;
	[tilespmem:s31+$0xD800] =	vst v14  }
0x1eb: {  	v62 =	vadd.s32 $0x280, v4;
	v14 =	vld.idx.msk [tilespmem:v61+s19+$0x0], $0xffff  }
0x1ec: {  	v63 =	vadd.s32 $0x280, v5;
	_ =	sdelay $0x2  }
0x1ed: {  	[tilespmem:s30+$0xD880] =	vst v8  }
0x1ee: {  	v8 =	vld.idx.msk [tilespmem:v62+s19+$0x0], $0xffff;
	[tilespmem:s31+$0xD880] =	vst v14  }
0x1ef: {  	v18 =	vadd.s32 $0x300, v4;
	v14 =	vld.idx.msk [tilespmem:v63+s19+$0x0], $0xffff  }
0x1f0: {  	v19 =	vadd.s32 $0x300, v5;
	_ =	sdelay $0x2  }
0x1f1: {  	[tilespmem:s30+$0xD900] =	vst v8  }
0x1f2: {  	v8 =	vld.idx.msk [tilespmem:v18+s19+$0x0], $0xffff;
	[tilespmem:s31+$0xD900] =	vst v14  }
0x1f3: {  	v20 =	vadd.s32 $0x380, v4;
	v14 =	vld.idx.msk [tilespmem:v19+s19+$0x0], $0xffff  }
0x1f4: {  	v21 =	vadd.s32 $0x380, v5;
	_ =	sdelay $0x2  }
0x1f5: {  	[tilespmem:s30+$0xD980] =	vst v8  }
0x1f6: {  	v8 =	vld.idx.msk [tilespmem:v20+s19+$0x0], $0xffff;
	[tilespmem:s31+$0xD980] =	vst v14  }
0x1f7: {  	v22 =	vadd.s32 $0x400, v4;
	v14 =	vld.idx.msk [tilespmem:v21+s19+$0x0], $0xffff  }
0x1f8: {  	v23 =	vadd.s32 $0x400, v5;
	_ =	sdelay $0x2  }
0x1f9: {  	[tilespmem:s30+$0xE600] =	vst v8  }
0x1fa: {  	v8 =	vld.idx.msk [tilespmem:v22+s19+$0x0], $0xffff;
	[tilespmem:s31+$0xE600] =	vst v14  }
0x1fb: {  	v24 =	vadd.s32 $0x480, v4;
	v14 =	vld.idx.msk [tilespmem:v23+s19+$0x0], $0xffff  }
0x1fc: {  	v25 =	vadd.s32 $0x480, v5;
	_ =	sdelay $0x2  }
0x1fd: {  	[tilespmem:s30+$0xE680] =	vst v8  }
0x1fe: {  	v8 =	vld.idx.msk [tilespmem:v24+s19+$0x0], $0xffff;
	[tilespmem:s31+$0xE680] =	vst v14  }
0x1ff: {  	v26 =	vadd.s32 $0x500, v4;
	v14 =	vld.idx.msk [tilespmem:v25+s19+$0x0], $0xffff  }
0x200: {  	v27 =	vadd.s32 $0x500, v5;
	_ =	sdelay $0x2  }
0x201: {  	[tilespmem:s30+$0xE700] =	vst v8  }
0x202: {  	v8 =	vld.idx.msk [tilespmem:v26+s19+$0x0], $0xffff;
	[tilespmem:s31+$0xE700] =	vst v14  }
0x203: {  	v28 =	vadd.s32 $0x580, v4;
	v14 =	vld.idx.msk [tilespmem:v27+s19+$0x0], $0xffff  }
0x204: {  	v29 =	vadd.s32 $0x580, v5;
	_ =	sdelay $0x2  }
0x205: {  	[tilespmem:s30+$0xE780] =	vst v8  }
0x206: {  	v8 =	vld.idx.msk [tilespmem:v28+s19+$0x0], $0xffff;
	[tilespmem:s31+$0xE780] =	vst v14  }
0x207: {  	v30 =	vadd.s32 $0x600, v4;
	v14 =	vld.idx.msk [tilespmem:v29+s19+$0x0], $0xffff  }
0x208: {  	v31 =	vadd.s32 $0x600, v5  }
0x209: {  	[tilespmem:s29+$0xE800] =	vst v12  }
0x20a: {  	v12 =	vld.idx.msk [tilespmem:v13+s19+$0x0], $0xffff  }
0x20b: {  	v32 =	vadd.s32 $0x680, v3;
	[tilespmem:s30+$0xE800] =	vst v8  }
0x20c: {  	v10 =	vld.idx.msk [tilespmem:v30+s19+$0x0], $0xffff;
	[tilespmem:s31+$0xE800] =	vst v14  }
0x20d: {  	v33 =	vadd.s32 $0x680, v4;
	v14 =	vld.idx.msk [tilespmem:v31+s19+$0x0], $0xffff  }
0x20e: {  	v34 =	vadd.s32 $0x680, v5  }
0x20f: {  	[tilespmem:s29+$0xE880] =	vst v12  }
0x210: {  	v8 =	vld.idx.msk [tilespmem:v32+s19+$0x0], $0xffff  }
0x211: {  	v35 =	vadd.s32 $0x700, v3;
	[tilespmem:s30+$0xE880] =	vst v10  }
0x212: {  	v36 =	vld.idx.msk [tilespmem:v33+s19+$0x0], $0xffff;
	[tilespmem:s31+$0xE880] =	vst v14  }
0x213: {  	v37 =	vadd.s32 $0x700, v4;
	v14 =	vld.idx.msk [tilespmem:v34+s19+$0x0], $0xffff  }
0x214: {  	v38 =	vadd.s32 $0x700, v5  }
0x215: {  	[tilespmem:s29+$0xE900] =	vst v8  }
0x216: {  	v8 =	vld.idx.msk [tilespmem:v35+s19+$0x0], $0xffff  }
0x217: {  	v39 =	vadd.s32 $0x780, v3;
	[tilespmem:s30+$0xE900] =	vst v36  }
0x218: {  	v12 =	vld.idx.msk [tilespmem:v37+s19+$0x0], $0xffff;
	[tilespmem:s31+$0xE900] =	vst v14  }
0x219: {  	v40 =	vadd.s32 $0x780, v4;
	v14 =	vld.idx.msk [tilespmem:v38+s19+$0x0], $0xffff  }
0x21a: {  	v41 =	vadd.s32 $0x780, v5  }
0x21b: {  	[tilespmem:s29+$0xE980] =	vst v8  }
0x21c: {  	v8 =	vld.idx.msk [tilespmem:v39+s19+$0x0], $0xffff  }
0x21d: {  	v42 =	vadd.s32 $0x800, v3;
	[tilespmem:s30+$0xE980] =	vst v12  }
0x21e: {  	v12 =	vld.idx.msk [tilespmem:v40+s19+$0x0], $0xffff;
	[tilespmem:s31+$0xE980] =	vst v14  }
0x21f: {  	v43 =	vadd.s32 $0x800, v4;
	v14 =	vld.idx.msk [tilespmem:v41+s19+$0x0], $0xffff  }
0x220: {  	v44 =	vadd.s32 $0x800, v5  }
0x221: {  	[tilespmem:s29+$0xF600] =	vst v8  }
0x222: {  	v8 =	vld.idx.msk [tilespmem:v42+s19+$0x0], $0xffff  }
0x223: {  	v45 =	vadd.s32 $0x880, v3;
	[tilespmem:s30+$0xF600] =	vst v12  }
0x224: {  	v12 =	vld.idx.msk [tilespmem:v43+s19+$0x0], $0xffff;
	[tilespmem:s31+$0xF600] =	vst v14  }
0x225: {  	v46 =	vadd.s32 $0x880, v4;
	v14 =	vld.idx.msk [tilespmem:v44+s19+$0x0], $0xffff  }
0x226: {  	v47 =	vadd.s32 $0x880, v5  }
0x227: {  	[tilespmem:s29+$0xF680] =	vst v8  }
0x228: {  	v8 =	vld.idx.msk [tilespmem:v45+s19+$0x0], $0xffff  }
0x229: {  	v48 =	vadd.s32 $0x900, v3;
	[tilespmem:s30+$0xF680] =	vst v12  }
0x22a: {  	v12 =	vld.idx.msk [tilespmem:v46+s19+$0x0], $0xffff;
	[tilespmem:s31+$0xF680] =	vst v14  }
0x22b: {  	v49 =	vadd.s32 $0x900, v4;
	v14 =	vld.idx.msk [tilespmem:v47+s19+$0x0], $0xffff  }
0x22c: {  	v50 =	vadd.s32 $0x900, v5  }
0x22d: {  	[tilespmem:s29+$0xF700] =	vst v8  }
0x22e: {  	v8 =	vld.idx.msk [tilespmem:v48+s19+$0x0], $0xffff  }
0x22f: {  	v51 =	vadd.s32 $0x980, v3;
	[tilespmem:s30+$0xF700] =	vst v12  }
0x230: {  	v12 =	vld.idx.msk [tilespmem:v49+s19+$0x0], $0xffff;
	[tilespmem:s31+$0xF700] =	vst v14  }
0x231: {  	v52 =	vadd.s32 $0x980, v4;
	v14 =	vld.idx.msk [tilespmem:v50+s19+$0x0], $0xffff  }
0x232: {  	v53 =	vadd.s32 $0x980, v5  }
0x233: {  	[tilespmem:s29+$0xF780] =	vst v8  }
0x234: {  	v8 =	vld.idx.msk [tilespmem:v51+s19+$0x0], $0xffff  }
0x235: {  	v54 =	vadd.s32 $0xA00, v3;
	[tilespmem:s30+$0xF780] =	vst v12  }
0x236: {  	v12 =	vld.idx.msk [tilespmem:v52+s19+$0x0], $0xffff;
	[tilespmem:s31+$0xF780] =	vst v14  }
0x237: {  	v55 =	vadd.s32 $0xA00, v4;
	v14 =	vld.idx.msk [tilespmem:v53+s19+$0x0], $0xffff  }
0x238: {  	v56 =	vadd.s32 $0xA00, v5  }
0x239: {  	[tilespmem:s29+$0xF800] =	vst v8  }
0x23a: {  	v8 =	vld.idx.msk [tilespmem:v54+s19+$0x0], $0xffff  }
0x23b: {  	v57 =	vadd.s32 $0xA80, v3;
	[tilespmem:s30+$0xF800] =	vst v12  }
0x23c: {  	v12 =	vld.idx.msk [tilespmem:v55+s19+$0x0], $0xffff;
	[tilespmem:s31+$0xF800] =	vst v14  }
0x23d: {  	v58 =	vadd.s32 $0xA80, v4;
	v14 =	vld.idx.msk [tilespmem:v56+s19+$0x0], $0xffff  }
0x23e: {  	v59 =	vadd.s32 $0xA80, v5  }
0x23f: {  	[tilespmem:s29+$0xF880] =	vst v8  }
0x240: {  	v8 =	vld.idx.msk [tilespmem:v57+s19+$0x0], $0xffff  }
0x241: {  	v60 =	vadd.s32 $0xB00, v3;
	[tilespmem:s30+$0xF880] =	vst v12  }
0x242: {  	v12 =	vld.idx.msk [tilespmem:v58+s19+$0x0], $0xffff;
	[tilespmem:s31+$0xF880] =	vst v14  }
0x243: {  	v61 =	vadd.s32 $0xB00, v4;
	v14 =	vld.idx.msk [tilespmem:v59+s19+$0x0], $0xffff  }
0x244: {  	[tilespmem:s28+$0xF900] =	vst v9;
	v62 =	vadd.s32 $0xB00, v5  }
0x245: {  	v9 =	vld.idx.msk [tilespmem:v11+s19+$0x0], $0xffff;
	[tilespmem:s29+$0xF900] =	vst v8  }
0x246: {  	v63 =	vadd.s32 $0xB80, v2;
	v10 =	vld.idx.msk [tilespmem:v60+s19+$0x0], $0xffff  }
0x247: {  	v18 =	vadd.s32 $0xB80, v3;
	[tilespmem:s30+$0xF900] =	vst v12  }
0x248: {  	v12 =	vld.idx.msk [tilespmem:v61+s19+$0x0], $0xffff;
	[tilespmem:s31+$0xF900] =	vst v14  }
0x249: {  	v19 =	vadd.s32 $0xB80, v4;
	v14 =	vld.idx.msk [tilespmem:v62+s19+$0x0], $0xffff  }
0x24a: {  	[tilespmem:s28+$0xF980] =	vst v9;
	v20 =	vadd.s32 $0xB80, v5  }
0x24b: {  	v8 =	vld.idx.msk [tilespmem:v63+s19+$0x0], $0xffff;
	[tilespmem:s29+$0xF980] =	vst v10  }
0x24c: {  	v21 =	vadd.s32 $0xC00, v2;
	v10 =	vld.idx.msk [tilespmem:v18+s19+$0x0], $0xffff  }
0x24d: {  	v22 =	vadd.s32 $0xC00, v3;
	[tilespmem:s30+$0xF980] =	vst v12  }
0x24e: {  	v12 =	vld.idx.msk [tilespmem:v19+s19+$0x0], $0xffff;
	[tilespmem:s31+$0xF980] =	vst v14  }
0x24f: {  	v23 =	vadd.s32 $0xC00, v4;
	v14 =	vld.idx.msk [tilespmem:v20+s19+$0x0], $0xffff  }
0x250: {  	v24 =	vadd.s32 $0xC00, v5;
	[tilespmem:s28+$0x10600] =	vst v8  }
0x251: {  	v8 =	vld.idx.msk [tilespmem:v21+s19+$0x0], $0xffff;
	[tilespmem:s29+$0x10600] =	vst v10  }
0x252: {  	v25 =	vadd.s32 $0xC80, v2;
	v10 =	vld.idx.msk [tilespmem:v22+s19+$0x0], $0xffff  }
0x253: {  	v26 =	vadd.s32 $0xC80, v3;
	[tilespmem:s30+$0x10600] =	vst v12  }
0x254: {  	v12 =	vld.idx.msk [tilespmem:v23+s19+$0x0], $0xffff;
	[tilespmem:s31+$0x10600] =	vst v14  }
0x255: {  	v27 =	vadd.s32 $0xC80, v4;
	v14 =	vld.idx.msk [tilespmem:v24+s19+$0x0], $0xffff  }
0x256: {  	v28 =	vadd.s32 $0xC80, v5;
	[tilespmem:s28+$0x10680] =	vst v8  }
0x257: {  	v8 =	vld.idx.msk [tilespmem:v25+s19+$0x0], $0xffff;
	[tilespmem:s29+$0x10680] =	vst v10  }
0x258: {  	v29 =	vadd.s32 $0xD00, v2;
	v10 =	vld.idx.msk [tilespmem:v26+s19+$0x0], $0xffff  }
0x259: {  	v30 =	vadd.s32 $0xD00, v3;
	[tilespmem:s30+$0x10680] =	vst v12  }
0x25a: {  	v12 =	vld.idx.msk [tilespmem:v27+s19+$0x0], $0xffff;
	[tilespmem:s31+$0x10680] =	vst v14  }
0x25b: {  	v31 =	vadd.s32 $0xD00, v4;
	v14 =	vld.idx.msk [tilespmem:v28+s19+$0x0], $0xffff  }
0x25c: {  	v32 =	vadd.s32 $0xD00, v5;
	[tilespmem:s28+$0x10700] =	vst v8  }
0x25d: {  	v8 =	vld.idx.msk [tilespmem:v29+s19+$0x0], $0xffff;
	[tilespmem:s29+$0x10700] =	vst v10  }
0x25e: {  	v33 =	vadd.s32 $0xD80, v2;
	v10 =	vld.idx.msk [tilespmem:v30+s19+$0x0], $0xffff  }
0x25f: {  	v34 =	vadd.s32 $0xD80, v3;
	[tilespmem:s30+$0x10700] =	vst v12  }
0x260: {  	v12 =	vld.idx.msk [tilespmem:v31+s19+$0x0], $0xffff;
	[tilespmem:s31+$0x10700] =	vst v14  }
0x261: {  	v35 =	vadd.s32 $0xD80, v4;
	v14 =	vld.idx.msk [tilespmem:v32+s19+$0x0], $0xffff  }
0x262: {  	v36 =	vadd.s32 $0xD80, v5;
	[tilespmem:s28+$0x10780] =	vst v8  }
0x263: {  	v8 =	vld.idx.msk [tilespmem:v33+s19+$0x0], $0xffff;
	[tilespmem:s29+$0x10780] =	vst v10  }
0x264: {  	v37 =	vadd.s32 $0xE00, v2;
	v10 =	vld.idx.msk [tilespmem:v34+s19+$0x0], $0xffff  }
0x265: {  	v38 =	vadd.s32 $0xE00, v3;
	[tilespmem:s30+$0x10780] =	vst v12  }
0x266: {  	v12 =	vld.idx.msk [tilespmem:v35+s19+$0x0], $0xffff;
	[tilespmem:s31+$0x10780] =	vst v14  }
0x267: {  	v39 =	vadd.s32 $0xE00, v4;
	v14 =	vld.idx.msk [tilespmem:v36+s19+$0x0], $0xffff  }
0x268: {  	v40 =	vadd.s32 $0xE00, v5;
	[tilespmem:s28+$0x10800] =	vst v8  }
0x269: {  	v8 =	vld.idx.msk [tilespmem:v37+s19+$0x0], $0xffff;
	[tilespmem:s29+$0x10800] =	vst v10  }
0x26a: {  	v41 =	vadd.s32 $0xE80, v2;
	v10 =	vld.idx.msk [tilespmem:v38+s19+$0x0], $0xffff  }
0x26b: {  	v42 =	vadd.s32 $0xE80, v3;
	[tilespmem:s30+$0x10800] =	vst v12  }
0x26c: {  	v12 =	vld.idx.msk [tilespmem:v39+s19+$0x0], $0xffff;
	[tilespmem:s31+$0x10800] =	vst v14  }
0x26d: {  	v43 =	vadd.s32 $0xE80, v4;
	v14 =	vld.idx.msk [tilespmem:v40+s19+$0x0], $0xffff  }
0x26e: {  	v44 =	vadd.s32 $0xE80, v5;
	[tilespmem:s28+$0x10880] =	vst v8  }
0x26f: {  	v8 =	vld.idx.msk [tilespmem:v41+s19+$0x0], $0xffff;
	[tilespmem:s29+$0x10880] =	vst v10  }
0x270: {  	v45 =	vadd.s32 $0xF00, v2;
	v10 =	vld.idx.msk [tilespmem:v42+s19+$0x0], $0xffff  }
0x271: {  	v46 =	vadd.s32 $0xF00, v3;
	[tilespmem:s30+$0x10880] =	vst v12  }
0x272: {  	v12 =	vld.idx.msk [tilespmem:v43+s19+$0x0], $0xffff;
	[tilespmem:s31+$0x10880] =	vst v14  }
0x273: {  	v47 =	vadd.s32 $0xF00, v4;
	v14 =	vld.idx.msk [tilespmem:v44+s19+$0x0], $0xffff  }
0x274: {  	v48 =	vadd.s32 $0xF00, v5;
	[tilespmem:s28+$0x10900] =	vst v8  }
0x275: {  	v8 =	vld.idx.msk [tilespmem:v45+s19+$0x0], $0xffff;
	[tilespmem:s29+$0x10900] =	vst v10  }
0x276: {  	v49 =	vadd.s32 $0xF80, v2;
	v10 =	vld.idx.msk [tilespmem:v46+s19+$0x0], $0xffff  }
0x277: {  	v50 =	vadd.s32 $0xF80, v3;
	[tilespmem:s30+$0x10900] =	vst v12  }
0x278: {  	v12 =	vld.idx.msk [tilespmem:v47+s19+$0x0], $0xffff;
	[tilespmem:s31+$0x10900] =	vst v14  }
0x279: {  	v51 =	vadd.s32 $0xF80, v4;
	v14 =	vld.idx.msk [tilespmem:v48+s19+$0x0], $0xffff  }
0x27a: {  	v52 =	vadd.s32 $0xF80, v5;
	[tilespmem:s28+$0x10980] =	vst v8  }
0x27b: {  	v8 =	vld.idx.msk [tilespmem:v49+s19+$0x0], $0xffff;
	[tilespmem:s29+$0x10980] =	vst v10  }
0x27c: {  	v53 =	vadd.s32 $0x1000, v2;
	v10 =	vld.idx.msk [tilespmem:v50+s19+$0x0], $0xffff  }
0x27d: {  	v54 =	vadd.s32 $0x1000, v3;
	[tilespmem:s30+$0x10980] =	vst v12  }
0x27e: {  	v12 =	vld.idx.msk [tilespmem:v51+s19+$0x0], $0xffff;
	[tilespmem:s31+$0x10980] =	vst v14  }
0x27f: {  	v55 =	vadd.s32 $0x1000, v4;
	v14 =	vld.idx.msk [tilespmem:v52+s19+$0x0], $0xffff  }
0x280: {  	v7 =	vld.idx.msk [tilespmem:v7+s19+$0x0], $0xffff;
	v56 =	vadd.s32 $0x1000, v5;
	[tilespmem:s28+$0x11600] =	vst v8  }
0x281: {  	v57 =	vadd.s32 $0x1080, v1;
	v9 =	vld.idx.msk [tilespmem:v53+s19+$0x0], $0xffff;
	[tilespmem:s29+$0x11600] =	vst v10  }
0x282: {  	v58 =	vadd.s32 $0x1080, v2;
	v11 =	vld.idx.msk [tilespmem:v54+s19+$0x0], $0xffff  }
0x283: {  	v59 =	vadd.s32 $0x1080, v3;
	[tilespmem:s30+$0x11600] =	vst v12  }
0x284: {  	v13 =	vld.idx.msk [tilespmem:v55+s19+$0x0], $0xffff;
	[tilespmem:s31+$0x11600] =	vst v14  }
0x285: {  	[tilespmem:s26+$0x11680] =	vst v7;
	v60 =	vadd.s32 $0x1080, v4;
	v15 =	vld.idx.msk [tilespmem:v56+s19+$0x0], $0xffff  }
0x286: {  	v61 =	vadd.s32 $0x1080, v5;
	v8 =	vld.idx.msk [tilespmem:v57+s19+$0x0], $0xffff;
	[tilespmem:s28+$0x11680] =	vst v9  }
0x287: {  	v62 =	vadd.s32 $0x1100, v1;
	v10 =	vld.idx.msk [tilespmem:v58+s19+$0x0], $0xffff;
	[tilespmem:s29+$0x11680] =	vst v11  }
0x288: {  	v63 =	vadd.s32 $0x1100, v2;
	v12 =	vld.idx.msk [tilespmem:v59+s19+$0x0], $0xffff  }
0x289: {  	v18 =	vadd.s32 $0x1100, v3;
	[tilespmem:s30+$0x11680] =	vst v13  }
0x28a: {  	v14 =	vld.idx.msk [tilespmem:v60+s19+$0x0], $0xffff;
	[tilespmem:s31+$0x11680] =	vst v15  }
0x28b: {  	v19 =	vadd.s32 $0x1100, v4;
	[tilespmem:s26+$0x11700] =	vst v8;
	v7 =	vld.idx.msk [tilespmem:v61+s19+$0x0], $0xffff  }
0x28c: {  	v20 =	vadd.s32 $0x1100, v5;
	v9 =	vld.idx.msk [tilespmem:v62+s19+$0x0], $0xffff;
	[tilespmem:s28+$0x11700] =	vst v10  }
0x28d: {  	v21 =	vadd.s32 $0x1180, v1;
	v11 =	vld.idx.msk [tilespmem:v63+s19+$0x0], $0xffff;
	[tilespmem:s29+$0x11700] =	vst v12  }
0x28e: {  	v22 =	vadd.s32 $0x1180, v2;
	v13 =	vld.idx.msk [tilespmem:v18+s19+$0x0], $0xffff  }
0x28f: {  	v23 =	vadd.s32 $0x1180, v3;
	[tilespmem:s30+$0x11700] =	vst v14  }
0x290: {  	v15 =	vld.idx.msk [tilespmem:v19+s19+$0x0], $0xffff;
	[tilespmem:s31+$0x11700] =	vst v7  }
0x291: {  	v24 =	vadd.s32 $0x1180, v4;
	[tilespmem:s26+$0x11780] =	vst v9;
	v8 =	vld.idx.msk [tilespmem:v20+s19+$0x0], $0xffff  }
0x292: {  	v25 =	vadd.s32 $0x1180, v5;
	v10 =	vld.idx.msk [tilespmem:v21+s19+$0x0], $0xffff;
	[tilespmem:s28+$0x11780] =	vst v11  }
0x293: {  	v26 =	vadd.s32 $0x1200, v1;
	v12 =	vld.idx.msk [tilespmem:v22+s19+$0x0], $0xffff;
	[tilespmem:s29+$0x11780] =	vst v13  }
0x294: {  	v27 =	vadd.s32 $0x1200, v2;
	v14 =	vld.idx.msk [tilespmem:v23+s19+$0x0], $0xffff  }
0x295: {  	v28 =	vadd.s32 $0x1200, v3;
	[tilespmem:s30+$0x11780] =	vst v15  }
0x296: {  	v7 =	vld.idx.msk [tilespmem:v24+s19+$0x0], $0xffff;
	[tilespmem:s31+$0x11780] =	vst v8  }
0x297: {  	v29 =	vadd.s32 $0x1200, v4;
	[tilespmem:s26+$0x11800] =	vst v10;
	v9 =	vld.idx.msk [tilespmem:v25+s19+$0x0], $0xffff  }
0x298: {  	v30 =	vadd.s32 $0x1200, v5;
	v11 =	vld.idx.msk [tilespmem:v26+s19+$0x0], $0xffff;
	[tilespmem:s28+$0x11800] =	vst v12  }
0x299: {  	v31 =	vadd.s32 $0x1280, v1;
	v13 =	vld.idx.msk [tilespmem:v27+s19+$0x0], $0xffff;
	[tilespmem:s29+$0x11800] =	vst v14  }
0x29a: {  	v32 =	vadd.s32 $0x1280, v2;
	v15 =	vld.idx.msk [tilespmem:v28+s19+$0x0], $0xffff  }
0x29b: {  	v33 =	vadd.s32 $0x1280, v3;
	[tilespmem:s30+$0x11800] =	vst v7  }
0x29c: {  	v8 =	vld.idx.msk [tilespmem:v29+s19+$0x0], $0xffff;
	[tilespmem:s31+$0x11800] =	vst v9  }
0x29d: {  	v34 =	vadd.s32 $0x1280, v4;
	[tilespmem:s26+$0x11880] =	vst v11;
	v10 =	vld.idx.msk [tilespmem:v30+s19+$0x0], $0xffff  }
0x29e: {  	v35 =	vadd.s32 $0x1280, v5;
	v12 =	vld.idx.msk [tilespmem:v31+s19+$0x0], $0xffff;
	[tilespmem:s28+$0x11880] =	vst v13  }
0x29f: {  	v36 =	vadd.s32 $0x1300, v1;
	v14 =	vld.idx.msk [tilespmem:v32+s19+$0x0], $0xffff;
	[tilespmem:s29+$0x11880] =	vst v15  }
0x2a0: {  	v37 =	vadd.s32 $0x1300, v2;
	v7 =	vld.idx.msk [tilespmem:v33+s19+$0x0], $0xffff  }
0x2a1: {  	v38 =	vadd.s32 $0x1300, v3;
	[tilespmem:s30+$0x11880] =	vst v8  }
0x2a2: {  	v9 =	vld.idx.msk [tilespmem:v34+s19+$0x0], $0xffff;
	[tilespmem:s31+$0x11880] =	vst v10  }
0x2a3: {  	v39 =	vadd.s32 $0x1300, v4;
	[tilespmem:s26+$0x11900] =	vst v12;
	v11 =	vld.idx.msk [tilespmem:v35+s19+$0x0], $0xffff  }
0x2a4: {  	v40 =	vadd.s32 $0x1300, v5;
	v13 =	vld.idx.msk [tilespmem:v36+s19+$0x0], $0xffff;
	[tilespmem:s28+$0x11900] =	vst v14  }
0x2a5: {  	v41 =	vadd.s32 $0x1380, v1;
	v15 =	vld.idx.msk [tilespmem:v37+s19+$0x0], $0xffff;
	[tilespmem:s29+$0x11900] =	vst v7  }
0x2a6: {  	v42 =	vadd.s32 $0x1380, v2;
	v8 =	vld.idx.msk [tilespmem:v38+s19+$0x0], $0xffff  }
0x2a7: {  	v43 =	vadd.s32 $0x1380, v3;
	[tilespmem:s30+$0x11900] =	vst v9  }
0x2a8: {  	v10 =	vld.idx.msk [tilespmem:v39+s19+$0x0], $0xffff;
	[tilespmem:s31+$0x11900] =	vst v11  }
0x2a9: {  	v44 =	vadd.s32 $0x1380, v4;
	[tilespmem:s26+$0x11980] =	vst v13;
	v12 =	vld.idx.msk [tilespmem:v40+s19+$0x0], $0xffff  }
0x2aa: {  	v45 =	vadd.s32 $0x1380, v5;
	v14 =	vld.idx.msk [tilespmem:v41+s19+$0x0], $0xffff;
	[tilespmem:s28+$0x11980] =	vst v15  }
0x2ab: {  	v46 =	vadd.s32 $0x1400, v1;
	v7 =	vld.idx.msk [tilespmem:v42+s19+$0x0], $0xffff;
	[tilespmem:s29+$0x11980] =	vst v8  }
0x2ac: {  	v47 =	vadd.s32 $0x1400, v2;
	v9 =	vld.idx.msk [tilespmem:v43+s19+$0x0], $0xffff  }
0x2ad: {  	v48 =	vadd.s32 $0x1400, v3;
	[tilespmem:s30+$0x11980] =	vst v10  }
0x2ae: {  	v11 =	vld.idx.msk [tilespmem:v44+s19+$0x0], $0xffff;
	[tilespmem:s31+$0x11980] =	vst v12  }
0x2af: {  	v49 =	vadd.s32 $0x1400, v4;
	[tilespmem:s26+$0x12600] =	vst v14;
	v13 =	vld.idx.msk [tilespmem:v45+s19+$0x0], $0xffff  }
0x2b0: {  	v50 =	vadd.s32 $0x1400, v5;
	v15 =	vld.idx.msk [tilespmem:v46+s19+$0x0], $0xffff;
	[tilespmem:s28+$0x12600] =	vst v7  }
0x2b1: {  	v51 =	vadd.s32 $0x1480, v1;
	v8 =	vld.idx.msk [tilespmem:v47+s19+$0x0], $0xffff;
	[tilespmem:s29+$0x12600] =	vst v9  }
0x2b2: {  	v52 =	vadd.s32 $0x1480, v2;
	v10 =	vld.idx.msk [tilespmem:v48+s19+$0x0], $0xffff  }
0x2b3: {  	v53 =	vadd.s32 $0x1480, v3;
	[tilespmem:s30+$0x12600] =	vst v11  }
0x2b4: {  	v12 =	vld.idx.msk [tilespmem:v49+s19+$0x0], $0xffff;
	[tilespmem:s31+$0x12600] =	vst v13  }
0x2b5: {  	v54 =	vadd.s32 $0x1480, v4;
	[tilespmem:s26+$0x12680] =	vst v15;
	v14 =	vld.idx.msk [tilespmem:v50+s19+$0x0], $0xffff  }
0x2b6: {  	v55 =	vadd.s32 $0x1480, v5;
	v7 =	vld.idx.msk [tilespmem:v51+s19+$0x0], $0xffff;
	[tilespmem:s28+$0x12680] =	vst v8  }
0x2b7: {  	v56 =	vadd.s32 $0x1500, v1;
	v9 =	vld.idx.msk [tilespmem:v52+s19+$0x0], $0xffff;
	[tilespmem:s29+$0x12680] =	vst v10  }
0x2b8: {  	v57 =	vadd.s32 $0x1500, v2;
	v11 =	vld.idx.msk [tilespmem:v53+s19+$0x0], $0xffff  }
0x2b9: {  	v58 =	vadd.s32 $0x1500, v3;
	[tilespmem:s30+$0x12680] =	vst v12  }
0x2ba: {  	v13 =	vld.idx.msk [tilespmem:v54+s19+$0x0], $0xffff;
	[tilespmem:s31+$0x12680] =	vst v14  }
0x2bb: {  	v59 =	vadd.s32 $0x1500, v4;
	[tilespmem:s26+$0x12700] =	vst v7;
	v15 =	vld.idx.msk [tilespmem:v55+s19+$0x0], $0xffff  }
0x2bc: {  	v60 =	vadd.s32 $0x1500, v5;
	v8 =	vld.idx.msk [tilespmem:v56+s19+$0x0], $0xffff;
	[tilespmem:s28+$0x12700] =	vst v9  }
0x2bd: {  	v62 =	vadd.s32 $0x1580, v1;
	v10 =	vld.idx.msk [tilespmem:v57+s19+$0x0], $0xffff;
	[tilespmem:s29+$0x12700] =	vst v11  }
0x2be: {  	v63 =	vadd.s32 $0x1580, v2;
	v12 =	vld.idx.msk [tilespmem:v58+s19+$0x0], $0xffff  }
0x2bf: {  	v20 =	vadd.s32 $0x1580, v3;
	[tilespmem:s30+$0x12700] =	vst v13  }
0x2c0: {  	v61 =	vadd.s32 $0x1580, v0;
	v14 =	vld.idx.msk [tilespmem:v59+s19+$0x0], $0xffff;
	[tilespmem:s31+$0x12700] =	vst v15  }
0x2c1: {  	v21 =	vadd.s32 $0x1580, v4;
	[tilespmem:s26+$0x12780] =	vst v8;
	v7 =	vld.idx.msk [tilespmem:v60+s19+$0x0], $0xffff  }
0x2c2: {  	v23 =	vadd.s32 $0x1580, v5;
	v9 =	vld.idx.msk [tilespmem:v62+s19+$0x0], $0xffff;
	[tilespmem:s28+$0x12780] =	vst v10  }
0x2c3: {  	v25 =	vadd.s32 $0x1600, v1;
	v11 =	vld.idx.msk [tilespmem:v63+s19+$0x0], $0xffff;
	[tilespmem:s29+$0x12780] =	vst v12  }
0x2c4: {  	[tilespmem:s25+$0x12780] =	vst v6;
	v26 =	vadd.s32 $0x1600, v2;
	v13 =	vld.idx.msk [tilespmem:v20+s19+$0x0], $0xffff  }
0x2c5: {  	v27 =	vadd.s32 $0x1600, v3;
	v22 =	vld.idx.msk [tilespmem:v61+s19+$0x0], $0xffff;
	[tilespmem:s30+$0x12780] =	vst v14  }
0x2c6: {  	v24 =	vadd.s32 $0x1600, v0;
	v6 =	vld.idx.msk [tilespmem:v21+s19+$0x0], $0xffff;
	[tilespmem:s31+$0x12780] =	vst v7  }
0x2c7: {  	v28 =	vadd.s32 $0x1600, v4;
	[tilespmem:s26+$0x12800] =	vst v9;
	v8 =	vld.idx.msk [tilespmem:v23+s19+$0x0], $0xffff  }
0x2c8: {  	v29 =	vadd.s32 $0x1600, v5;
	v10 =	vld.idx.msk [tilespmem:v25+s19+$0x0], $0xffff;
	[tilespmem:s28+$0x12800] =	vst v11  }
0x2c9: {  	v31 =	vadd.s32 $0x1680, v1;
	v12 =	vld.idx.msk [tilespmem:v26+s19+$0x0], $0xffff;
	[tilespmem:s29+$0x12800] =	vst v13  }
0x2ca: {  	v32 =	vadd.s32 $0x1680, v2;
	[tilespmem:s25+$0x12800] =	vst v22;
	v14 =	vld.idx.msk [tilespmem:v27+s19+$0x0], $0xffff  }
0x2cb: {  	v33 =	vadd.s32 $0x1680, v3;
	v15 =	vld.idx.msk [tilespmem:v24+s19+$0x0], $0xffff;
	[tilespmem:s30+$0x12800] =	vst v6  }
0x2cc: {  	v30 =	vadd.s32 $0x1680, v0;
	v7 =	vld.idx.msk [tilespmem:v28+s19+$0x0], $0xffff;
	[tilespmem:s31+$0x12800] =	vst v8  }
0x2cd: {  	v34 =	vadd.s32 $0x1680, v4;
	[tilespmem:s26+$0x12880] =	vst v10;
	v9 =	vld.idx.msk [tilespmem:v29+s19+$0x0], $0xffff  }
0x2ce: {  	v35 =	vadd.s32 $0x1680, v5;
	v11 =	vld.idx.msk [tilespmem:v31+s19+$0x0], $0xffff;
	[tilespmem:s28+$0x12880] =	vst v12  }
0x2cf: {  	v37 =	vadd.s32 $0x1700, v1;
	v13 =	vld.idx.msk [tilespmem:v32+s19+$0x0], $0xffff;
	[tilespmem:s29+$0x12880] =	vst v14  }
0x2d0: {  	v38 =	vadd.s32 $0x1700, v2;
	[tilespmem:s25+$0x12880] =	vst v15;
	v6 =	vld.idx.msk [tilespmem:v33+s19+$0x0], $0xffff  }
0x2d1: {  	v39 =	vadd.s32 $0x1700, v3;
	v15 =	vld.idx.msk [tilespmem:v30+s19+$0x0], $0xffff;
	[tilespmem:s30+$0x12880] =	vst v7  }
0x2d2: {  	v36 =	vadd.s32 $0x1700, v0;
	v8 =	vld.idx.msk [tilespmem:v34+s19+$0x0], $0xffff;
	[tilespmem:s31+$0x12880] =	vst v9  }
0x2d3: {  	v40 =	vadd.s32 $0x1700, v4;
	[tilespmem:s26+$0x12900] =	vst v11;
	v10 =	vld.idx.msk [tilespmem:v35+s19+$0x0], $0xffff  }
0x2d4: {  	v41 =	vadd.s32 $0x1700, v5;
	v12 =	vld.idx.msk [tilespmem:v37+s19+$0x0], $0xffff;
	[tilespmem:s28+$0x12900] =	vst v13  }
0x2d5: {  	v43 =	vadd.s32 $0x1780, v1;
	v14 =	vld.idx.msk [tilespmem:v38+s19+$0x0], $0xffff;
	[tilespmem:s29+$0x12900] =	vst v6  }
0x2d6: {  	v44 =	vadd.s32 $0x1780, v2;
	[tilespmem:s25+$0x12900] =	vst v15;
	v7 =	vld.idx.msk [tilespmem:v39+s19+$0x0], $0xffff  }
0x2d7: {  	v45 =	vadd.s32 $0x1780, v3;
	v15 =	vld.idx.msk [tilespmem:v36+s19+$0x0], $0xffff;
	[tilespmem:s30+$0x12900] =	vst v8  }
0x2d8: {  	v42 =	vadd.s32 $0x1780, v0;
	v9 =	vld.idx.msk [tilespmem:v40+s19+$0x0], $0xffff;
	[tilespmem:s31+$0x12900] =	vst v10  }
0x2d9: {  	v46 =	vadd.s32 $0x1780, v4;
	[tilespmem:s26+$0x12980] =	vst v12;
	v11 =	vld.idx.msk [tilespmem:v41+s19+$0x0], $0xffff  }
0x2da: {  	v47 =	vadd.s32 $0x1780, v5;
	v13 =	vld.idx.msk [tilespmem:v43+s19+$0x0], $0xffff;
	[tilespmem:s28+$0x12980] =	vst v14  }
0x2db: {  	v49 =	vadd.s32 $0x1800, v1;
	v6 =	vld.idx.msk [tilespmem:v44+s19+$0x0], $0xffff;
	[tilespmem:s29+$0x12980] =	vst v7  }
0x2dc: {  	v50 =	vadd.s32 $0x1800, v2;
	[tilespmem:s25+$0x12980] =	vst v15;
	v8 =	vld.idx.msk [tilespmem:v45+s19+$0x0], $0xffff  }
0x2dd: {  	v51 =	vadd.s32 $0x1800, v3;
	v15 =	vld.idx.msk [tilespmem:v42+s19+$0x0], $0xffff;
	[tilespmem:s30+$0x12980] =	vst v9  }
0x2de: {  	v48 =	vadd.s32 $0x1800, v0;
	v10 =	vld.idx.msk [tilespmem:v46+s19+$0x0], $0xffff;
	[tilespmem:s31+$0x12980] =	vst v11  }
0x2df: {  	v52 =	vadd.s32 $0x1800, v4;
	[tilespmem:s26+$0x13600] =	vst v13;
	v12 =	vld.idx.msk [tilespmem:v47+s19+$0x0], $0xffff  }
0x2e0: {  	v53 =	vadd.s32 $0x1800, v5;
	v14 =	vld.idx.msk [tilespmem:v49+s19+$0x0], $0xffff;
	[tilespmem:s28+$0x13600] =	vst v6  }
0x2e1: {  	v55 =	vadd.s32 $0x1880, v1;
	v6 =	vld.idx.msk [tilespmem:v50+s19+$0x0], $0xffff;
	[tilespmem:s29+$0x13600] =	vst v8  }
0x2e2: {  	v56 =	vadd.s32 $0x1880, v2;
	[tilespmem:s25+$0x13600] =	vst v15;
	v57 =	vld.idx.msk [tilespmem:v51+s19+$0x0], $0xffff  }
0x2e3: {  	v58 =	vadd.s32 $0x1880, v3;
	v15 =	vld.idx.msk [tilespmem:v48+s19+$0x0], $0xffff;
	[tilespmem:s30+$0x13600] =	vst v10  }
0x2e4: {  	v54 =	vadd.s32 $0x1880, v0;
	v59 =	vld.idx.msk [tilespmem:v52+s19+$0x0], $0xffff;
	[tilespmem:s31+$0x13600] =	vst v12  }
0x2e5: {  	v60 =	vadd.s32 $0x1880, v4;
	[tilespmem:s26+$0x13680] =	vst v14;
	v61 =	vld.idx.msk [tilespmem:v53+s19+$0x0], $0xffff  }
0x2e6: {  	v62 =	vadd.s32 $0x1880, v5;
	v1 =	vld.idx.msk [tilespmem:v55+s19+$0x0], $0xffff;
	[tilespmem:s28+$0x13680] =	vst v6  }
0x2e7: {  	v2 =	vld.idx.msk [tilespmem:v56+s19+$0x0], $0xffff;
	[tilespmem:s29+$0x13680] =	vst v57  }
0x2e8: {  	[tilespmem:s25+$0x13680] =	vst v15;
	v3 =	vld.idx.msk [tilespmem:v58+s19+$0x0], $0xffff  }
0x2e9: {  	v0 =	vld.idx.msk [tilespmem:v54+s19+$0x0], $0xffff;
	[tilespmem:s30+$0x13680] =	vst v59  }
0x2ea: {  	v4 =	vld.idx.msk [tilespmem:v60+s19+$0x0], $0xffff;
	[tilespmem:s31+$0x13680] =	vst v61  }
0x2eb: {  	[tilespmem:s26+$0x13700] =	vst v1;
	v63 =	vld.idx.msk [tilespmem:v62+s19+$0x0], $0xffff  }
0x2ec: {  	[tilespmem:s28+$0x13700] =	vst v2  }
0x2ed: {  	[tilespmem:s29+$0x13700] =	vst v3  }
0x2ee: {  	[tilespmem:s25+$0x13700] =	vst v0  }
0x2ef: {  	[tilespmem:s30+$0x13700] =	vst v4  }
0x2f0: {  	s24 =	sadd.s32 $0x1, s24;
	[tilespmem:s31+$0x13700] =	vst v63  }
0x2f1: {  	[hbm4b:s11+s13] =	stream.strided.scatter [tilespmem:s22], [sflag:$0x3], $0x9000, s14, s13, $0x38;
	[tilespmem:$0x14600] =	vst v63  }
0x2f2: {  	p0 =	sne.s32 s24, s12;
	_ =	swait.ge [sflag:s20], $0x8000  }
.Ltmp1:
0x2f3: {  	[sflag:s20] =	ssyncset.done $0x0;
	(pc) =	sbr.rel @p0 .LBB2_1-.Ltmp1, $4  }
0x2f4: {  	[sflag:s20] =	ssyncadd.s32 $0xFFFF8000  }
0x2f5: {  	_ =	swait.ge [sflag:s23], $0x9000  }
0x2f6: {  	[sflag:s23] =	ssyncset.done $0x0  }
0x2f7: {  	[sflag:s23] =	ssyncadd.s32 $0xFFFF7000  }
0x2f8: {  	_ =	sfence.sel $0x180000  }
0x2f9: {  	[bflag:$0x0] =	sbarrier.arrive $0xFFFF  }
0x2fa: {  	_ =	strace $0x90000047  }
0x2fb: {  	s0 =	stileid.u32;
	[bflag:$0x2] =	sbarrier.arrive $0xFFFF  }
0x2fc: {  	p0 =	sne.s32 s0, $0x0;
	s0 =	rddreg [dreg:$0x8]  }
0x2fd: {  	s0 =	sadd.s32 @!p0 $0x100000, s0  }
0x2fe: {  	[sflag:s0] =	ssyncadd.tile.s32 @!p0 $0x1;
	_ =	shalt  }
.Lfunc_end2:
_tile_overlayer_lowered:
.L_overlay_start_2:
0x2ff: {  	(tag) =	ssettag $0x2  }
0x300: {  	s0 =	rddreg [dreg:$0x0];
	s2 =	stileid.u32  }
0x301: {  	s1 =	rddreg [dreg:$0x1];
	p0 =	sne.s32 s2, $0x0  }
0x302: {  	s3 =	rddreg [dreg:$0x2];
	[bflag:$0x3] =	sbarrier.arrive $0xFFFF;
	s2 =	simm.s32 @!p0 $0x1C04  }
0x303: {  	[timem:s3], [sflag:s2] =	dma.local @!p0 [hbm:s0], s1  }
0x304: {  	s0 =	simm.s32 @!p0 $0x4  }
0x305: {  	_ =	swait.ge @!p0 [sflag:s0], s1  }
0x306: {  	s1 =	ssub.s32 @!p0 $0x0, s1;
	[sflag:s0] =	ssyncset.done @!p0 $0x0  }
0x307: {  	[sflag:s0] =	ssyncadd.s32 @!p0 s1  }
0x308: {  	[bflag:$0x3] =	sbarrier.arrive $0xFFFF  }
0x309: {  	_ =	shalt  }

</sc_bundles>
